<compile_context>
chip_gen: v7x
topology: tpu7x:2x2x1
jax: 0.10.2.dev20260603
libtpu: 0.0.44.dev20260713+nightly
codegen_flags: <defaults>
</compile_context>

<pallas_src>
import functools

import jax
import jax.numpy as jnp
from jax import lax
from jax.experimental import pallas as pl
from jax.experimental.pallas import tpu as pltpu
from jax.experimental.pallas import tpu_sc as plsc

NC = 2
NS = 16
NW = NC * NS
LANES = 16

B = 16384
L = 200
CW = B // NW
RT = 40
N_UNITS = L // RT
NELEM = RT * CW


def _body(dense_hbm, cat_hbm, emb_hbm, wb_hbm, out_hbm,
          emb_v, wb_v, lut_v, d0, d1, c0, c1, o0, o1,
          sd0, sd1, sc0, sc1, so0, so1):
    wid = lax.axis_index("s") * NC + lax.axis_index("c")
    b0 = wid * CW
    q0 = wid * (CW // 128)
    dbufs, cbufs, obufs = [d0, d1], [c0, c1], [o0, o1]
    dsems, csems, osems = [sd0, sd1], [sc0, sc1], [so0, so1]

    pltpu.sync_copy(emb_hbm, emb_v)
    pltpu.sync_copy(wb_hbm, wb_v)
    iota = lax.iota(jnp.int32, LANES)
    e0 = plsc.load_gather(emb_v, [jnp.minimum(iota * 2, 14)])
    e1 = plsc.load_gather(emb_v, [jnp.minimum(iota * 2 + 1, 15)])
    nw0v = wb_v[pl.ds(0, LANES)]
    w1v = wb_v[pl.ds(LANES, LANES)]
    w2v = wb_v[pl.ds(2 * LANES, LANES)]
    bv = wb_v[pl.ds(3 * LANES, LANES)]
    lut_v[...] = -(e0 * w1v + e1 * w2v + bv)

    def start_in(u, k):
        r = u * RT
        pltpu.async_copy(
            dense_hbm.at[pl.ds(r, RT), pl.ds(b0, CW)], dbufs[k], dsems[k])
        pltpu.async_copy(
            cat_hbm.at[pl.ds(r, RT), pl.ds(b0, CW)], cbufs[k], csems[k])

    def wait_in(k):
        pltpu.make_async_copy(
            dense_hbm.at[pl.ds(0, RT), pl.ds(b0, CW)], dbufs[k], dsems[k]).wait()
        pltpu.make_async_copy(
            cat_hbm.at[pl.ds(0, RT), pl.ds(b0, CW)], cbufs[k], csems[k]).wait()

    def start_out(u, k):
        pltpu.async_copy(
            obufs[k],
            out_hbm.at[pl.ds(u * RT, RT), pl.ds(q0, CW // 128)],
            osems[k])

    def wait_out(k):
        pltpu.make_async_copy(
            obufs[k],
            out_hbm.at[pl.ds(0, RT), pl.ds(q0, CW // 128)],
            osems[k]).wait()

    def compute(k):
        dbuf, cbuf, obuf = dbufs[k], cbufs[k], obufs[k]

        @plsc.parallel_loop(0, NELEM, step=LANES, unroll=8)
        def _(i):
            r = i // CW
            c2 = i - r * CW
            s = pl.ds(c2, LANES)
            d = dbuf[r, s]
            c = cbuf[r, s]
            nt = plsc.load_gather(lut_v, [c])
            q = c2 // 128
            obuf[r, q, pl.ds(c2 - q * 128, LANES)] = (
                1.0 / (1.0 + jnp.exp(d * nw0v + nt)))

    n_pairs = (N_UNITS - 1) // 2
    start_in(0, 0)

    def pair_body(p, _):
        u0 = 2 * p
        start_in(u0 + 1, 1)
        wait_in(0)

        @pl.when(p > 0)
        def _():
            wait_out(0)

        compute(0)
        start_out(u0, 0)
        start_in(u0 + 2, 0)
        wait_in(1)

        @pl.when(p > 0)
        def _():
            wait_out(1)

        compute(1)
        start_out(u0 + 1, 1)
        return 0

    lax.fori_loop(0, n_pairs, pair_body, 0)
    wait_in(0)
    wait_out(0)
    compute(0)
    start_out(N_UNITS - 1, 0)
    wait_out(1)
    wait_out(0)


_mesh = plsc.VectorSubcoreMesh(
    core_axis_name="c", subcore_axis_name="s", num_cores=NC, num_subcores=NS)

_sc_call = functools.partial(
    pl.kernel,
    out_type=jax.ShapeDtypeStruct((L, 128, B // 128), jnp.float32),
    mesh=_mesh,
    compiler_params=pltpu.CompilerParams(
        needs_layout_passes=False, use_tc_tiling_on_sc=True),
    scratch_types=[
        pltpu.VMEM((LANES,), jnp.float32),
        pltpu.VMEM((4 * LANES,), jnp.float32),
        pltpu.VMEM((LANES,), jnp.float32),
        pltpu.VMEM((RT, CW), jnp.float32),
        pltpu.VMEM((RT, CW), jnp.float32),
        pltpu.VMEM((RT, CW), jnp.int32),
        pltpu.VMEM((RT, CW), jnp.int32),
        pltpu.VMEM((RT, CW // 128, 128), jnp.float32),
        pltpu.VMEM((RT, CW // 128, 128), jnp.float32),
        pltpu.SemaphoreType.DMA,
        pltpu.SemaphoreType.DMA,
        pltpu.SemaphoreType.DMA,
        pltpu.SemaphoreType.DMA,
        pltpu.SemaphoreType.DMA,
        pltpu.SemaphoreType.DMA,
    ],
)(_body)


def kernel(denseFeat, catFeat, emb_table, W, b):
    dT = denseFeat.T
    cT = catFeat.astype(jnp.int32).T
    emb16 = jnp.zeros((LANES,), jnp.float32).at[:10].set(emb_table.reshape(-1))
    wb64 = jnp.concatenate([
        jnp.broadcast_to(-W[0, 0], (LANES,)),
        jnp.broadcast_to(W[1, 0], (LANES,)),
        jnp.broadcast_to(W[2, 0], (LANES,)),
        jnp.broadcast_to(b[0], (LANES,)),
    ]).astype(jnp.float32)
    out3 = _sc_call(dT, cT, emb16, wb64)
    return jax.lax.reshape(out3, (B, L, 1), dimensions=(1, 2, 0))

# --- scband reference (transcript-rebuilt; emitter-appended) ---
"""Pipeline reference for scband-my-model-87522843558774 (READ-ONLY COPY).

The authoritative reference and input builder live on the scoring server;
editing this copy changes nothing except your own understanding.
"""

import jax, jax.numpy as jnp
import numpy as np

B = 16384
L = 200
NB_CAT = 5
EMB_DIM = 2

def setup_inputs(seed: int = 0) -> dict:
    key = jax.random.key(seed)
    k1, k2, k3, k4 = jax.random.split(key, 4)
    denseFeat = jax.random.normal(k1, (B, L), dtype=jnp.float32)
    catFeat = jax.random.randint(k2, (B, L), 0, NB_CAT, dtype=jnp.int64)
    # learned params: embedding table (nb_cat=5, dim=2) and Dense(1) on concat dim 1+2=3
    emb_table = jax.random.normal(k3, (NB_CAT, EMB_DIM), dtype=jnp.float32) * 0.05
    W = jax.random.normal(k4, (1 + EMB_DIM, 1), dtype=jnp.float32) * 0.5
    b = jnp.zeros((1,), dtype=jnp.float32)
    return {"denseFeat": denseFeat, "catFeat": catFeat, "emb_table": emb_table, "W": W, "b": b}

def reference(denseFeat, catFeat, emb_table, W, b):
    # dense_to_sparse drops exact zeros; SequenceFeatures densifies back with 0 padding.
    # Net effect: zeros stay zeros, nonzeros pass through -> mask * value.
    mask = (denseFeat != 0.0).astype(jnp.float32)
    x_dense = (denseFeat * mask)[..., None]            # [B, L, 1]
    # SequenceFeatures over embedding_column -> per-timestep embedding lookup
    x_cat = jnp.take(emb_table, catFeat, axis=0)        # [B, L, 2]
    x = jnp.concatenate([x_dense, x_cat], axis=-1)      # [B, L, 3]
    out = jax.nn.sigmoid(jnp.dot(x, W) + b)             # [B, L, 1]
    return out

if __name__ == "__main__":
    import jax
    _d = setup_inputs()
    print(jax.jit(kernel)(*tuple(_d.values())))

</pallas_src>

<mosaic_0001>
#map = affine_map<(d0, d1) -> (0, 0)>
#map1 = affine_map<(d0, d1) -> (0)>
#map2 = affine_map<(d0, d1) -> (0, 0, 0)>
module attributes {stable_mosaic.version = 14 : i64} {
  func.func @_body(%arg0: i32, %arg1: i32, %arg2: memref<200x16384xf32, #tpu.memory_space<hbm>>, %arg3: memref<200x16384xi32, #tpu.memory_space<hbm>>, %arg4: memref<16xf32, #tpu.memory_space<hbm>>, %arg5: memref<64xf32, #tpu.memory_space<hbm>>, %arg6: memref<200x128x128xf32, #tpu.memory_space<hbm>>, %arg7: memref<16xf32, #tpu.memory_space<vmem>>, %arg8: memref<64xf32, #tpu.memory_space<vmem>>, %arg9: memref<16xf32, #tpu.memory_space<vmem>>, %arg10: memref<40x512xf32, #tpu.memory_space<vmem>>, %arg11: memref<40x512xf32, #tpu.memory_space<vmem>>, %arg12: memref<40x512xi32, #tpu.memory_space<vmem>>, %arg13: memref<40x512xi32, #tpu.memory_space<vmem>>, %arg14: memref<40x4x128xf32, #tpu.memory_space<vmem>>, %arg15: memref<40x4x128xf32, #tpu.memory_space<vmem>>, %arg16: memref<!tpu.dma_semaphore, #tpu.memory_space<semaphore_mem>>, %arg17: memref<!tpu.dma_semaphore, #tpu.memory_space<semaphore_mem>>, %arg18: memref<!tpu.dma_semaphore, #tpu.memory_space<semaphore_mem>>, %arg19: memref<!tpu.dma_semaphore, #tpu.memory_space<semaphore_mem>>, %arg20: memref<!tpu.dma_semaphore, #tpu.memory_space<semaphore_mem>>, %arg21: memref<!tpu.dma_semaphore, #tpu.memory_space<semaphore_mem>>) attributes {dimension_semantics = [#tpu.dimension_semantics<core_parallel>, #tpu.dimension_semantics<subcore_parallel>], iteration_bounds = array<i64: 2, 16>, scalar_prefetch = 0 : i64, scratch_operands = 15 : i64, tpu.core_type = #tpu.core_type<sc_vector_subcore>, window_params = [{transform_indices = #map}, {transform_indices = #map}, {transform_indices = #map1}, {transform_indices = #map1}, {transform_indices = #map2}]} {
    %mul3A = arith.constant 2 : i32
    %mul3A_0 = arith.muli %arg1, %mul3A : i32
    %add3A = arith.addi %mul3A_0, %arg0 : i32
    %mul3A_1 = arith.constant 512 : i32
    %mul3A_2 = arith.muli %add3A, %mul3A_1 : i32
    %mul3A_3 = arith.constant 4 : i32
    %mul3A_4 = arith.muli %add3A, %mul3A_3 : i32
    "tpu.region"() ({
      %run_scoped3A = tpu.sem_alloc : memref<!tpu.dma_semaphore, #tpu.memory_space<semaphore_mem>>
      tpu.enqueue_dma source(%arg4 : memref<16xf32, #tpu.memory_space<hbm>>) target(%arg7 : memref<16xf32, #tpu.memory_space<vmem>>) target_semaphore(%run_scoped3A : memref<!tpu.dma_semaphore, #tpu.memory_space<semaphore_mem>>)
      tpu.wait_dma2 semaphore(%run_scoped3A : memref<!tpu.dma_semaphore, #tpu.memory_space<semaphore_mem>>) src(%arg4 : memref<16xf32, #tpu.memory_space<hbm>>) dst(%arg7 : memref<16xf32, #tpu.memory_space<vmem>>)
      tpu.yield
    }) : () -> ()
    "tpu.region"() ({
      %run_scoped3A = tpu.sem_alloc : memref<!tpu.dma_semaphore, #tpu.memory_space<semaphore_mem>>
      tpu.enqueue_dma source(%arg5 : memref<64xf32, #tpu.memory_space<hbm>>) target(%arg8 : memref<64xf32, #tpu.memory_space<vmem>>) target_semaphore(%run_scoped3A : memref<!tpu.dma_semaphore, #tpu.memory_space<semaphore_mem>>)
      tpu.wait_dma2 semaphore(%run_scoped3A : memref<!tpu.dma_semaphore, #tpu.memory_space<semaphore_mem>>) src(%arg5 : memref<64xf32, #tpu.memory_space<hbm>>) dst(%arg8 : memref<64xf32, #tpu.memory_space<vmem>>)
      tpu.yield
    }) : () -> ()
    %iota3A = tpu.iota {dimensions = array<i32: 0>} : vector<16xi32>
    %mul3A_5 = arith.constant 2 : i32
    %mul3A_6 = vector.broadcast %mul3A_5 : i32 to vector<16xi32>
    %mul3A_7 = arith.muli %iota3A, %mul3A_6 : vector<16xi32>
    %min3A = arith.constant 14 : i32
    %min3A_8 = vector.broadcast %min3A : i32 to vector<16xi32>
    %min3A_9 = arith.minsi %mul3A_7, %min3A_8 : vector<16xi32>
    %gather3A = tpu.vector_load_idx %arg7[%min3A_9] : memref<16xf32, #tpu.memory_space<vmem>>[vector<16xi32>], vector<16xf32>,
    %mul3A_10 = arith.constant 2 : i32
    %mul3A_11 = vector.broadcast %mul3A_10 : i32 to vector<16xi32>
    %mul3A_12 = arith.muli %iota3A, %mul3A_11 : vector<16xi32>
    %add3A_13 = arith.constant 1 : i32
    %add3A_14 = vector.broadcast %add3A_13 : i32 to vector<16xi32>
    %add3A_15 = arith.addi %mul3A_12, %add3A_14 : vector<16xi32>
    %min3A_16 = arith.constant 15 : i32
    %min3A_17 = vector.broadcast %min3A_16 : i32 to vector<16xi32>
    %min3A_18 = arith.minsi %add3A_15, %min3A_17 : vector<16xi32>
    %gather3A_19 = tpu.vector_load_idx %arg7[%min3A_18] : memref<16xf32, #tpu.memory_space<vmem>>[vector<16xi32>], vector<16xf32>,
    %get3A = arith.constant 0 : index
    %get3A_20 = tpu.vector_load %arg8[%get3A] {strides = array<i32>} : memref<64xf32, #tpu.memory_space<vmem>>, vector<16xf32>,
    %get3A_21 = arith.constant 16 : index
    %get3A_22 = tpu.vector_load %arg8[%get3A_21] {strides = array<i32>} : memref<64xf32, #tpu.memory_space<vmem>>, vector<16xf32>,
    %get3A_23 = arith.constant 32 : index
    %get3A_24 = tpu.vector_load %arg8[%get3A_23] {strides = array<i32>} : memref<64xf32, #tpu.memory_space<vmem>>, vector<16xf32>,
    %get3A_25 = arith.constant 48 : index
    %get3A_26 = tpu.vector_load %arg8[%get3A_25] {strides = array<i32>} : memref<64xf32, #tpu.memory_space<vmem>>, vector<16xf32>,
    %mul3A_27 = arith.mulf %gather3A, %get3A_22 : vector<16xf32>
    %mul3A_28 = arith.mulf %gather3A_19, %get3A_24 : vector<16xf32>
    %add3A_29 = arith.addf %mul3A_27, %mul3A_28 : vector<16xf32>
    %add3A_30 = arith.addf %add3A_29, %get3A_26 : vector<16xf32>
    %neg3A = arith.constant 0.000000e+00 : f32
    %neg3A_31 = vector.broadcast %neg3A : f32 to vector<16xf32>
    %neg3A_32 = arith.subf %neg3A_31, %add3A_30 : vector<16xf32>
    %swap3A = arith.constant 0 : index
    %swap3A_33 = tpu.vector_load %arg9[%swap3A] {strides = array<i32>} : memref<16xf32, #tpu.memory_space<vmem>>, vector<16xf32>,
    tpu.vector_store %arg9[%swap3A], %neg3A_32 {strides = array<i32>} : memref<16xf32, #tpu.memory_space<vmem>>, vector<16xf32>,
    %dma_start3A = arith.constant 0 : i32
    %dma_start3A_34 = tpu.memref_slice %arg2[%dma_start3A, %mul3A_2] : memref<200x16384xf32, #tpu.memory_space<hbm>> -> memref<40x512xf32, #tpu.memory_space<hbm>>
    %dma_start3A_35 = arith.constant 0 : i32
    %dma_start3A_36 = tpu.memref_slice %arg2[%dma_start3A_35, %mul3A_2] : memref<200x16384xf32, #tpu.memory_space<hbm>> -> memref<40x512xf32, #tpu.memory_space<hbm>>
    tpu.enqueue_dma source(%dma_start3A_36 : memref<40x512xf32, #tpu.memory_space<hbm>>) target(%arg10 : memref<40x512xf32, #tpu.memory_space<vmem>>) target_semaphore(%arg16 : memref<!tpu.dma_semaphore, #tpu.memory_space<semaphore_mem>>)
    %dma_start3A_37 = arith.constant 0 : i32
    %dma_start3A_38 = tpu.memref_slice %arg3[%dma_start3A_37, %mul3A_2] : memref<200x16384xi32, #tpu.memory_space<hbm>> -> memref<40x512xi32, #tpu.memory_space<hbm>>
    %dma_start3A_39 = arith.constant 0 : i32
    %dma_start3A_40 = tpu.memref_slice %arg3[%dma_start3A_39, %mul3A_2] : memref<200x16384xi32, #tpu.memory_space<hbm>> -> memref<40x512xi32, #tpu.memory_space<hbm>>
    tpu.enqueue_dma source(%dma_start3A_40 : memref<40x512xi32, #tpu.memory_space<hbm>>) target(%arg12 : memref<40x512xi32, #tpu.memory_space<vmem>>) target_semaphore(%arg18 : memref<!tpu.dma_semaphore, #tpu.memory_space<semaphore_mem>>)
    %scan3A = arith.constant 0 : i32
    %scan3A_41 = arith.constant 0 : i32
    %scan3A_42 = arith.constant 2 : i32
    %scan3A_43 = arith.addi %scan3A_41, %scan3A_42 : i32
    %scan3A_44 = arith.constant 1 : i32
    %scan3A_45 = scf.for %scan3A_80 = %scan3A_41 to %scan3A_43 step %scan3A_44 iter_args(%scan3A_81 = %scan3A) -> (i32)  : i32 {
      %mul3A_82 = arith.constant 2 : i32
      %mul3A_83 = arith.muli %mul3A_82, %scan3A_80 : i32
      %add3A_84 = arith.constant 1 : i32
      %add3A_85 = arith.addi %mul3A_83, %add3A_84 : i32
      %mul3A_86 = arith.constant 40 : i32
      %mul3A_87 = arith.muli %add3A_85, %mul3A_86 : i32
      %dma_start3A_88 = tpu.memref_slice %arg2[%mul3A_87, %mul3A_2] : memref<200x16384xf32, #tpu.memory_space<hbm>> -> memref<40x512xf32, #tpu.memory_space<hbm>>
      %dma_start3A_89 = tpu.memref_slice %arg2[%mul3A_87, %mul3A_2] : memref<200x16384xf32, #tpu.memory_space<hbm>> -> memref<40x512xf32, #tpu.memory_space<hbm>>
      tpu.enqueue_dma source(%dma_start3A_89 : memref<40x512xf32, #tpu.memory_space<hbm>>) target(%arg11 : memref<40x512xf32, #tpu.memory_space<vmem>>) target_semaphore(%arg17 : memref<!tpu.dma_semaphore, #tpu.memory_space<semaphore_mem>>)
      %dma_start3A_90 = tpu.memref_slice %arg3[%mul3A_87, %mul3A_2] : memref<200x16384xi32, #tpu.memory_space<hbm>> -> memref<40x512xi32, #tpu.memory_space<hbm>>
      %dma_start3A_91 = tpu.memref_slice %arg3[%mul3A_87, %mul3A_2] : memref<200x16384xi32, #tpu.memory_space<hbm>> -> memref<40x512xi32, #tpu.memory_space<hbm>>
      tpu.enqueue_dma source(%dma_start3A_91 : memref<40x512xi32, #tpu.memory_space<hbm>>) target(%arg13 : memref<40x512xi32, #tpu.memory_space<vmem>>) target_semaphore(%arg19 : memref<!tpu.dma_semaphore, #tpu.memory_space<semaphore_mem>>)
      %dma_wait3A_92 = arith.constant 0 : i32
      %dma_wait3A_93 = tpu.memref_slice %arg2[%dma_wait3A_92, %mul3A_2] : memref<200x16384xf32, #tpu.memory_space<hbm>> -> memref<40x512xf32, #tpu.memory_space<hbm>>
      %dma_wait3A_94 = arith.constant 0 : i32
      %dma_wait3A_95 = tpu.memref_slice %arg2[%dma_wait3A_94, %mul3A_2] : memref<200x16384xf32, #tpu.memory_space<hbm>> -> memref<40x512xf32, #tpu.memory_space<hbm>>
      tpu.wait_dma2 semaphore(%arg16 : memref<!tpu.dma_semaphore, #tpu.memory_space<semaphore_mem>>) src(%dma_wait3A_95 : memref<40x512xf32, #tpu.memory_space<hbm>>) dst(%arg10 : memref<40x512xf32, #tpu.memory_space<vmem>>)
      %dma_wait3A_96 = arith.constant 0 : i32
      %dma_wait3A_97 = tpu.memref_slice %arg3[%dma_wait3A_96, %mul3A_2] : memref<200x16384xi32, #tpu.memory_space<hbm>> -> memref<40x512xi32, #tpu.memory_space<hbm>>
      %dma_wait3A_98 = arith.constant 0 : i32
      %dma_wait3A_99 = tpu.memref_slice %arg3[%dma_wait3A_98, %mul3A_2] : memref<200x16384xi32, #tpu.memory_space<hbm>> -> memref<40x512xi32, #tpu.memory_space<hbm>>
      tpu.wait_dma2 semaphore(%arg18 : memref<!tpu.dma_semaphore, #tpu.memory_space<semaphore_mem>>) src(%dma_wait3A_99 : memref<40x512xi32, #tpu.memory_space<hbm>>) dst(%arg12 : memref<40x512xi32, #tpu.memory_space<vmem>>)
      %gt3A = arith.constant 0 : i32
      %gt3A_100 = arith.cmpi sgt, %scan3A_80, %gt3A : i32
      %convert_element_type3A = arith.extui %gt3A_100 : i1 to i32
      %cond3A = arith.constant 0 : i32
      %cond3A_101 = arith.cmpi ne, %convert_element_type3A, %cond3A : i32
      scf.if %cond3A_101 {
        %dma_wait3A_144 = arith.constant 0 : i32
        %dma_wait3A_145 = arith.constant 0 : i32
        %dma_wait3A_146 = tpu.memref_slice %arg6[%dma_wait3A_144, %mul3A_4, %dma_wait3A_145] : memref<200x128x128xf32, #tpu.memory_space<hbm>> -> memref<40x4x128xf32, #tpu.memory_space<hbm>>
        %dma_wait3A_147 = arith.constant 0 : i32
        %dma_wait3A_148 = arith.constant 0 : i32
        %dma_wait3A_149 = tpu.memref_slice %arg6[%dma_wait3A_147, %mul3A_4, %dma_wait3A_148] : memref<200x128x128xf32, #tpu.memory_space<hbm>> -> memref<40x4x128xf32, #tpu.memory_space<hbm>>
        tpu.wait_dma2 semaphore(%arg20 : memref<!tpu.dma_semaphore, #tpu.memory_space<semaphore_mem>>) src(%arg14 : memref<40x4x128xf32, #tpu.memory_space<vmem>>) dst(%dma_wait3A_149 : memref<40x4x128xf32, #tpu.memory_space<hbm>>)
      } else {
      }
      %parallel_loop3A_102 = arith.constant 0 : i32
      %parallel_loop3A_103 = arith.constant 20480 : i32
      %parallel_loop3A_104 = arith.constant 16 : i32
      scf.for %parallel_loop3A_144 = %parallel_loop3A_102 to %parallel_loop3A_103 step %parallel_loop3A_104  : i32 {
        %parallel_loop3A_145 = arith.constant 512 : i32
        %parallel_loop3A_146 = arith.divsi %parallel_loop3A_144, %parallel_loop3A_145 : i32
        %parallel_loop3A_147 = arith.constant 0 : i32
        %parallel_loop3A_148 = arith.cmpi sgt, %parallel_loop3A_144, %parallel_loop3A_147 : i32
        %parallel_loop3A_149 = arith.extui %parallel_loop3A_148 : i1 to i32
        %parallel_loop3A_150 = arith.constant 0 : i32
        %parallel_loop3A_151 = arith.cmpi slt, %parallel_loop3A_144, %parallel_loop3A_150 : i32
        %parallel_loop3A_152 = arith.extui %parallel_loop3A_151 : i1 to i32
        %parallel_loop3A_153 = arith.subi %parallel_loop3A_149, %parallel_loop3A_152 : i32
        %parallel_loop3A_154 = arith.constant 0 : i32
        %parallel_loop3A_155 = arith.cmpi sgt, %parallel_loop3A_145, %parallel_loop3A_154 : i32
        %parallel_loop3A_156 = arith.extui %parallel_loop3A_155 : i1 to i32
        %parallel_loop3A_157 = arith.constant 0 : i32
        %parallel_loop3A_158 = arith.cmpi slt, %parallel_loop3A_145, %parallel_loop3A_157 : i32
        %parallel_loop3A_159 = arith.extui %parallel_loop3A_158 : i1 to i32
        %parallel_loop3A_160 = arith.subi %parallel_loop3A_156, %parallel_loop3A_159 : i32
        %parallel_loop3A_161 = arith.cmpi ne, %parallel_loop3A_153, %parallel_loop3A_160 : i32
        %parallel_loop3A_162 = arith.remsi %parallel_loop3A_144, %parallel_loop3A_145 : i32
        %parallel_loop3A_163 = arith.constant 0 : i32
        %parallel_loop3A_164 = arith.cmpi ne, %parallel_loop3A_162, %parallel_loop3A_163 : i32
        %parallel_loop3A_165 = arith.andi %parallel_loop3A_161, %parallel_loop3A_164 : i1
        %parallel_loop3A_166 = arith.constant 1 : i32
        %parallel_loop3A_167 = arith.subi %parallel_loop3A_146, %parallel_loop3A_166 : i32
        %parallel_loop3A_168 = arith.select %parallel_loop3A_165, %parallel_loop3A_167, %parallel_loop3A_146 : i32
        %parallel_loop3A_169 = arith.constant 512 : i32
        %parallel_loop3A_170 = arith.muli %parallel_loop3A_168, %parallel_loop3A_169 : i32
        %parallel_loop3A_171 = arith.subi %parallel_loop3A_144, %parallel_loop3A_170 : i32
        %parallel_loop3A_172 = arith.index_cast %parallel_loop3A_168 : i32 to index
        %parallel_loop3A_173 = arith.index_cast %parallel_loop3A_171 : i32 to index
        %parallel_loop3A_174 = tpu.vector_load %arg10[%parallel_loop3A_172, %parallel_loop3A_173] {strides = array<i32>} : memref<40x512xf32, #tpu.memory_space<vmem>>, vector<16xf32>,
        %parallel_loop3A_175 = arith.index_cast %parallel_loop3A_168 : i32 to index
        %parallel_loop3A_176 = arith.index_cast %parallel_loop3A_171 : i32 to index
        %parallel_loop3A_177 = tpu.vector_load %arg12[%parallel_loop3A_175, %parallel_loop3A_176] {strides = array<i32>} : memref<40x512xi32, #tpu.memory_space<vmem>>, vector<16xi32>,
        %parallel_loop3A_178 = tpu.vector_load_idx %arg9[%parallel_loop3A_177] : memref<16xf32, #tpu.memory_space<vmem>>[vector<16xi32>], vector<16xf32>,
        %parallel_loop3A_179 = arith.constant 128 : i32
        %parallel_loop3A_180 = arith.divsi %parallel_loop3A_171, %parallel_loop3A_179 : i32
        %parallel_loop3A_181 = arith.constant 0 : i32
        %parallel_loop3A_182 = arith.cmpi sgt, %parallel_loop3A_171, %parallel_loop3A_181 : i32
        %parallel_loop3A_183 = arith.extui %parallel_loop3A_182 : i1 to i32
        %parallel_loop3A_184 = arith.constant 0 : i32
        %parallel_loop3A_185 = arith.cmpi slt, %parallel_loop3A_171, %parallel_loop3A_184 : i32
        %parallel_loop3A_186 = arith.extui %parallel_loop3A_185 : i1 to i32
        %parallel_loop3A_187 = arith.subi %parallel_loop3A_183, %parallel_loop3A_186 : i32
        %parallel_loop3A_188 = arith.constant 0 : i32
        %parallel_loop3A_189 = arith.cmpi sgt, %parallel_loop3A_179, %parallel_loop3A_188 : i32
        %parallel_loop3A_190 = arith.extui %parallel_loop3A_189 : i1 to i32
        %parallel_loop3A_191 = arith.constant 0 : i32
        %parallel_loop3A_192 = arith.cmpi slt, %parallel_loop3A_179, %parallel_loop3A_191 : i32
        %parallel_loop3A_193 = arith.extui %parallel_loop3A_192 : i1 to i32
        %parallel_loop3A_194 = arith.subi %parallel_loop3A_190, %parallel_loop3A_193 : i32
        %parallel_loop3A_195 = arith.cmpi ne, %parallel_loop3A_187, %parallel_loop3A_194 : i32
        %parallel_loop3A_196 = arith.remsi %parallel_loop3A_171, %parallel_loop3A_179 : i32
        %parallel_loop3A_197 = arith.constant 0 : i32
        %parallel_loop3A_198 = arith.cmpi ne, %parallel_loop3A_196, %parallel_loop3A_197 : i32
        %parallel_loop3A_199 = arith.andi %parallel_loop3A_195, %parallel_loop3A_198 : i1
        %parallel_loop3A_200 = arith.constant 1 : i32
        %parallel_loop3A_201 = arith.subi %parallel_loop3A_180, %parallel_loop3A_200 : i32
        %parallel_loop3A_202 = arith.select %parallel_loop3A_199, %parallel_loop3A_201, %parallel_loop3A_180 : i32
        %parallel_loop3A_203 = arith.mulf %parallel_loop3A_174, %get3A_20 : vector<16xf32>
        %parallel_loop3A_204 = arith.addf %parallel_loop3A_203, %parallel_loop3A_178 : vector<16xf32>
        %parallel_loop3A_205 = math.exp %parallel_loop3A_204 : vector<16xf32>
        %parallel_loop3A_206 = arith.constant 1.000000e+00 : f32
        %parallel_loop3A_207 = vector.broadcast %parallel_loop3A_206 : f32 to vector<16xf32>
        %parallel_loop3A_208 = arith.addf %parallel_loop3A_207, %parallel_loop3A_205 : vector<16xf32>
        %parallel_loop3A_209 = arith.constant 1.000000e+00 : f32
        %parallel_loop3A_210 = vector.broadcast %parallel_loop3A_209 : f32 to vector<16xf32>
        %parallel_loop3A_211 = arith.divf %parallel_loop3A_210, %parallel_loop3A_208 : vector<16xf32>
        %parallel_loop3A_212 = arith.constant 128 : i32
        %parallel_loop3A_213 = arith.muli %parallel_loop3A_202, %parallel_loop3A_212 : i32
        %parallel_loop3A_214 = arith.subi %parallel_loop3A_171, %parallel_loop3A_213 : i32
        %parallel_loop3A_215 = arith.index_cast %parallel_loop3A_168 : i32 to index
        %parallel_loop3A_216 = arith.index_cast %parallel_loop3A_202 : i32 to index
        %parallel_loop3A_217 = arith.index_cast %parallel_loop3A_214 : i32 to index
        %parallel_loop3A_218 = tpu.vector_load %arg14[%parallel_loop3A_215, %parallel_loop3A_216, %parallel_loop3A_217] {strides = array<i32>} : memref<40x4x128xf32, #tpu.memory_space<vmem>>, vector<16xf32>,
        tpu.vector_store %arg14[%parallel_loop3A_215, %parallel_loop3A_216, %parallel_loop3A_217], %parallel_loop3A_211 {strides = array<i32>} : memref<40x4x128xf32, #tpu.memory_space<vmem>>, vector<16xf32>,
      } {sc.loop_unroll_factor = 8 : i64, sc.parallel_access}
      %mul3A_105 = arith.constant 40 : i32
      %mul3A_106 = arith.muli %mul3A_83, %mul3A_105 : i32
      %dma_start3A_107 = arith.constant 0 : i32
      %dma_start3A_108 = tpu.memref_slice %arg6[%mul3A_106, %mul3A_4, %dma_start3A_107] : memref<200x128x128xf32, #tpu.memory_space<hbm>> -> memref<40x4x128xf32, #tpu.memory_space<hbm>>
      %dma_start3A_109 = arith.constant 0 : i32
      %dma_start3A_110 = tpu.memref_slice %arg6[%mul3A_106, %mul3A_4, %dma_start3A_109] : memref<200x128x128xf32, #tpu.memory_space<hbm>> -> memref<40x4x128xf32, #tpu.memory_space<hbm>>
      tpu.enqueue_dma source(%arg14 : memref<40x4x128xf32, #tpu.memory_space<vmem>>) target(%dma_start3A_110 : memref<40x4x128xf32, #tpu.memory_space<hbm>>) target_semaphore(%arg20 : memref<!tpu.dma_semaphore, #tpu.memory_space<semaphore_mem>>)
      %add3A_111 = arith.constant 2 : i32
      %add3A_112 = arith.addi %mul3A_83, %add3A_111 : i32
      %mul3A_113 = arith.constant 40 : i32
      %mul3A_114 = arith.muli %add3A_112, %mul3A_113 : i32
      %dma_start3A_115 = tpu.memref_slice %arg2[%mul3A_114, %mul3A_2] : memref<200x16384xf32, #tpu.memory_space<hbm>> -> memref<40x512xf32, #tpu.memory_space<hbm>>
      %dma_start3A_116 = tpu.memref_slice %arg2[%mul3A_114, %mul3A_2] : memref<200x16384xf32, #tpu.memory_space<hbm>> -> memref<40x512xf32, #tpu.memory_space<hbm>>
      tpu.enqueue_dma source(%dma_start3A_116 : memref<40x512xf32, #tpu.memory_space<hbm>>) target(%arg10 : memref<40x512xf32, #tpu.memory_space<vmem>>) target_semaphore(%arg16 : memref<!tpu.dma_semaphore, #tpu.memory_space<semaphore_mem>>)
      %dma_start3A_117 = tpu.memref_slice %arg3[%mul3A_114, %mul3A_2] : memref<200x16384xi32, #tpu.memory_space<hbm>> -> memref<40x512xi32, #tpu.memory_space<hbm>>
      %dma_start3A_118 = tpu.memref_slice %arg3[%mul3A_114, %mul3A_2] : memref<200x16384xi32, #tpu.memory_space<hbm>> -> memref<40x512xi32, #tpu.memory_space<hbm>>
      tpu.enqueue_dma source(%dma_start3A_118 : memref<40x512xi32, #tpu.memory_space<hbm>>) target(%arg12 : memref<40x512xi32, #tpu.memory_space<vmem>>) target_semaphore(%arg18 : memref<!tpu.dma_semaphore, #tpu.memory_space<semaphore_mem>>)
      %dma_wait3A_119 = arith.constant 0 : i32
      %dma_wait3A_120 = tpu.memref_slice %arg2[%dma_wait3A_119, %mul3A_2] : memref<200x16384xf32, #tpu.memory_space<hbm>> -> memref<40x512xf32, #tpu.memory_space<hbm>>
      %dma_wait3A_121 = arith.constant 0 : i32
      %dma_wait3A_122 = tpu.memref_slice %arg2[%dma_wait3A_121, %mul3A_2] : memref<200x16384xf32, #tpu.memory_space<hbm>> -> memref<40x512xf32, #tpu.memory_space<hbm>>
      tpu.wait_dma2 semaphore(%arg17 : memref<!tpu.dma_semaphore, #tpu.memory_space<semaphore_mem>>) src(%dma_wait3A_122 : memref<40x512xf32, #tpu.memory_space<hbm>>) dst(%arg11 : memref<40x512xf32, #tpu.memory_space<vmem>>)
      %dma_wait3A_123 = arith.constant 0 : i32
      %dma_wait3A_124 = tpu.memref_slice %arg3[%dma_wait3A_123, %mul3A_2] : memref<200x16384xi32, #tpu.memory_space<hbm>> -> memref<40x512xi32, #tpu.memory_space<hbm>>
      %dma_wait3A_125 = arith.constant 0 : i32
      %dma_wait3A_126 = tpu.memref_slice %arg3[%dma_wait3A_125, %mul3A_2] : memref<200x16384xi32, #tpu.memory_space<hbm>> -> memref<40x512xi32, #tpu.memory_space<hbm>>
      tpu.wait_dma2 semaphore(%arg19 : memref<!tpu.dma_semaphore, #tpu.memory_space<semaphore_mem>>) src(%dma_wait3A_126 : memref<40x512xi32, #tpu.memory_space<hbm>>) dst(%arg13 : memref<40x512xi32, #tpu.memory_space<vmem>>)
      %gt3A_127 = arith.constant 0 : i32
      %gt3A_128 = arith.cmpi sgt, %scan3A_80, %gt3A_127 : i32
      %convert_element_type3A_129 = arith.extui %gt3A_128 : i1 to i32
      %cond3A_130 = arith.constant 0 : i32
      %cond3A_131 = arith.cmpi ne, %convert_element_type3A_129, %cond3A_130 : i32
      scf.if %cond3A_131 {
        %dma_wait3A_144 = arith.constant 0 : i32
        %dma_wait3A_145 = arith.constant 0 : i32
        %dma_wait3A_146 = tpu.memref_slice %arg6[%dma_wait3A_144, %mul3A_4, %dma_wait3A_145] : memref<200x128x128xf32, #tpu.memory_space<hbm>> -> memref<40x4x128xf32, #tpu.memory_space<hbm>>
        %dma_wait3A_147 = arith.constant 0 : i32
        %dma_wait3A_148 = arith.constant 0 : i32
        %dma_wait3A_149 = tpu.memref_slice %arg6[%dma_wait3A_147, %mul3A_4, %dma_wait3A_148] : memref<200x128x128xf32, #tpu.memory_space<hbm>> -> memref<40x4x128xf32, #tpu.memory_space<hbm>>
        tpu.wait_dma2 semaphore(%arg21 : memref<!tpu.dma_semaphore, #tpu.memory_space<semaphore_mem>>) src(%arg15 : memref<40x4x128xf32, #tpu.memory_space<vmem>>) dst(%dma_wait3A_149 : memref<40x4x128xf32, #tpu.memory_space<hbm>>)
      } else {
      }
      %parallel_loop3A_132 = arith.constant 0 : i32
      %parallel_loop3A_133 = arith.constant 20480 : i32
      %parallel_loop3A_134 = arith.constant 16 : i32
      scf.for %parallel_loop3A_144 = %parallel_loop3A_132 to %parallel_loop3A_133 step %parallel_loop3A_134  : i32 {
        %parallel_loop3A_145 = arith.constant 512 : i32
        %parallel_loop3A_146 = arith.divsi %parallel_loop3A_144, %parallel_loop3A_145 : i32
        %parallel_loop3A_147 = arith.constant 0 : i32
        %parallel_loop3A_148 = arith.cmpi sgt, %parallel_loop3A_144, %parallel_loop3A_147 : i32
        %parallel_loop3A_149 = arith.extui %parallel_loop3A_148 : i1 to i32
        %parallel_loop3A_150 = arith.constant 0 : i32
        %parallel_loop3A_151 = arith.cmpi slt, %parallel_loop3A_144, %parallel_loop3A_150 : i32
        %parallel_loop3A_152 = arith.extui %parallel_loop3A_151 : i1 to i32
        %parallel_loop3A_153 = arith.subi %parallel_loop3A_149, %parallel_loop3A_152 : i32
        %parallel_loop3A_154 = arith.constant 0 : i32
        %parallel_loop3A_155 = arith.cmpi sgt, %parallel_loop3A_145, %parallel_loop3A_154 : i32
        %parallel_loop3A_156 = arith.extui %parallel_loop3A_155 : i1 to i32
        %parallel_loop3A_157 = arith.constant 0 : i32
        %parallel_loop3A_158 = arith.cmpi slt, %parallel_loop3A_145, %parallel_loop3A_157 : i32
        %parallel_loop3A_159 = arith.extui %parallel_loop3A_158 : i1 to i32
        %parallel_loop3A_160 = arith.subi %parallel_loop3A_156, %parallel_loop3A_159 : i32
        %parallel_loop3A_161 = arith.cmpi ne, %parallel_loop3A_153, %parallel_loop3A_160 : i32
        %parallel_loop3A_162 = arith.remsi %parallel_loop3A_144, %parallel_loop3A_145 : i32
        %parallel_loop3A_163 = arith.constant 0 : i32
        %parallel_loop3A_164 = arith.cmpi ne, %parallel_loop3A_162, %parallel_loop3A_163 : i32
        %parallel_loop3A_165 = arith.andi %parallel_loop3A_161, %parallel_loop3A_164 : i1
        %parallel_loop3A_166 = arith.constant 1 : i32
        %parallel_loop3A_167 = arith.subi %parallel_loop3A_146, %parallel_loop3A_166 : i32
        %parallel_loop3A_168 = arith.select %parallel_loop3A_165, %parallel_loop3A_167, %parallel_loop3A_146 : i32
        %parallel_loop3A_169 = arith.constant 512 : i32
        %parallel_loop3A_170 = arith.muli %parallel_loop3A_168, %parallel_loop3A_169 : i32
        %parallel_loop3A_171 = arith.subi %parallel_loop3A_144, %parallel_loop3A_170 : i32
        %parallel_loop3A_172 = arith.index_cast %parallel_loop3A_168 : i32 to index
        %parallel_loop3A_173 = arith.index_cast %parallel_loop3A_171 : i32 to index
        %parallel_loop3A_174 = tpu.vector_load %arg11[%parallel_loop3A_172, %parallel_loop3A_173] {strides = array<i32>} : memref<40x512xf32, #tpu.memory_space<vmem>>, vector<16xf32>,
        %parallel_loop3A_175 = arith.index_cast %parallel_loop3A_168 : i32 to index
        %parallel_loop3A_176 = arith.index_cast %parallel_loop3A_171 : i32 to index
        %parallel_loop3A_177 = tpu.vector_load %arg13[%parallel_loop3A_175, %parallel_loop3A_176] {strides = array<i32>} : memref<40x512xi32, #tpu.memory_space<vmem>>, vector<16xi32>,
        %parallel_loop3A_178 = tpu.vector_load_idx %arg9[%parallel_loop3A_177] : memref<16xf32, #tpu.memory_space<vmem>>[vector<16xi32>], vector<16xf32>,
        %parallel_loop3A_179 = arith.constant 128 : i32
        %parallel_loop3A_180 = arith.divsi %parallel_loop3A_171, %parallel_loop3A_179 : i32
        %parallel_loop3A_181 = arith.constant 0 : i32
        %parallel_loop3A_182 = arith.cmpi sgt, %parallel_loop3A_171, %parallel_loop3A_181 : i32
        %parallel_loop3A_183 = arith.extui %parallel_loop3A_182 : i1 to i32
        %parallel_loop3A_184 = arith.constant 0 : i32
        %parallel_loop3A_185 = arith.cmpi slt, %parallel_loop3A_171, %parallel_loop3A_184 : i32
        %parallel_loop3A_186 = arith.extui %parallel_loop3A_185 : i1 to i32
        %parallel_loop3A_187 = arith.subi %parallel_loop3A_183, %parallel_loop3A_186 : i32
        %parallel_loop3A_188 = arith.constant 0 : i32
        %parallel_loop3A_189 = arith.cmpi sgt, %parallel_loop3A_179, %parallel_loop3A_188 : i32
        %parallel_loop3A_190 = arith.extui %parallel_loop3A_189 : i1 to i32
        %parallel_loop3A_191 = arith.constant 0 : i32
        %parallel_loop3A_192 = arith.cmpi slt, %parallel_loop3A_179, %parallel_loop3A_191 : i32
        %parallel_loop3A_193 = arith.extui %parallel_loop3A_192 : i1 to i32
        %parallel_loop3A_194 = arith.subi %parallel_loop3A_190, %parallel_loop3A_193 : i32
        %parallel_loop3A_195 = arith.cmpi ne, %parallel_loop3A_187, %parallel_loop3A_194 : i32
        %parallel_loop3A_196 = arith.remsi %parallel_loop3A_171, %parallel_loop3A_179 : i32
        %parallel_loop3A_197 = arith.constant 0 : i32
        %parallel_loop3A_198 = arith.cmpi ne, %parallel_loop3A_196, %parallel_loop3A_197 : i32
        %parallel_loop3A_199 = arith.andi %parallel_loop3A_195, %parallel_loop3A_198 : i1
        %parallel_loop3A_200 = arith.constant 1 : i32
        %parallel_loop3A_201 = arith.subi %parallel_loop3A_180, %parallel_loop3A_200 : i32
        %parallel_loop3A_202 = arith.select %parallel_loop3A_199, %parallel_loop3A_201, %parallel_loop3A_180 : i32
        %parallel_loop3A_203 = arith.mulf %parallel_loop3A_174, %get3A_20 : vector<16xf32>
        %parallel_loop3A_204 = arith.addf %parallel_loop3A_203, %parallel_loop3A_178 : vector<16xf32>
        %parallel_loop3A_205 = math.exp %parallel_loop3A_204 : vector<16xf32>
        %parallel_loop3A_206 = arith.constant 1.000000e+00 : f32
        %parallel_loop3A_207 = vector.broadcast %parallel_loop3A_206 : f32 to vector<16xf32>
        %parallel_loop3A_208 = arith.addf %parallel_loop3A_207, %parallel_loop3A_205 : vector<16xf32>
        %parallel_loop3A_209 = arith.constant 1.000000e+00 : f32
        %parallel_loop3A_210 = vector.broadcast %parallel_loop3A_209 : f32 to vector<16xf32>
        %parallel_loop3A_211 = arith.divf %parallel_loop3A_210, %parallel_loop3A_208 : vector<16xf32>
        %parallel_loop3A_212 = arith.constant 128 : i32
        %parallel_loop3A_213 = arith.muli %parallel_loop3A_202, %parallel_loop3A_212 : i32
        %parallel_loop3A_214 = arith.subi %parallel_loop3A_171, %parallel_loop3A_213 : i32
        %parallel_loop3A_215 = arith.index_cast %parallel_loop3A_168 : i32 to index
        %parallel_loop3A_216 = arith.index_cast %parallel_loop3A_202 : i32 to index
        %parallel_loop3A_217 = arith.index_cast %parallel_loop3A_214 : i32 to index
        %parallel_loop3A_218 = tpu.vector_load %arg15[%parallel_loop3A_215, %parallel_loop3A_216, %parallel_loop3A_217] {strides = array<i32>} : memref<40x4x128xf32, #tpu.memory_space<vmem>>, vector<16xf32>,
        tpu.vector_store %arg15[%parallel_loop3A_215, %parallel_loop3A_216, %parallel_loop3A_217], %parallel_loop3A_211 {strides = array<i32>} : memref<40x4x128xf32, #tpu.memory_space<vmem>>, vector<16xf32>,
      } {sc.loop_unroll_factor = 8 : i64, sc.parallel_access}
      %add3A_135 = arith.constant 1 : i32
      %add3A_136 = arith.addi %mul3A_83, %add3A_135 : i32
      %mul3A_137 = arith.constant 40 : i32
      %mul3A_138 = arith.muli %add3A_136, %mul3A_137 : i32
      %dma_start3A_139 = arith.constant 0 : i32
      %dma_start3A_140 = tpu.memref_slice %arg6[%mul3A_138, %mul3A_4, %dma_start3A_139] : memref<200x128x128xf32, #tpu.memory_space<hbm>> -> memref<40x4x128xf32, #tpu.memory_space<hbm>>
      %dma_start3A_141 = arith.constant 0 : i32
      %dma_start3A_142 = tpu.memref_slice %arg6[%mul3A_138, %mul3A_4, %dma_start3A_141] : memref<200x128x128xf32, #tpu.memory_space<hbm>> -> memref<40x4x128xf32, #tpu.memory_space<hbm>>
      tpu.enqueue_dma source(%arg15 : memref<40x4x128xf32, #tpu.memory_space<vmem>>) target(%dma_start3A_142 : memref<40x4x128xf32, #tpu.memory_space<hbm>>) target_semaphore(%arg21 : memref<!tpu.dma_semaphore, #tpu.memory_space<semaphore_mem>>)
      %scan3A_143 = arith.constant 0 : i32
      scf.yield %scan3A_143 : i32
    }
    %scan3A_46 = arith.constant 2 : i32
    %dma_wait3A = arith.constant 0 : i32
    %dma_wait3A_47 = tpu.memref_slice %arg2[%dma_wait3A, %mul3A_2] : memref<200x16384xf32, #tpu.memory_space<hbm>> -> memref<40x512xf32, #tpu.memory_space<hbm>>
    %dma_wait3A_48 = arith.constant 0 : i32
    %dma_wait3A_49 = tpu.memref_slice %arg2[%dma_wait3A_48, %mul3A_2] : memref<200x16384xf32, #tpu.memory_space<hbm>> -> memref<40x512xf32, #tpu.memory_space<hbm>>
    tpu.wait_dma2 semaphore(%arg16 : memref<!tpu.dma_semaphore, #tpu.memory_space<semaphore_mem>>) src(%dma_wait3A_49 : memref<40x512xf32, #tpu.memory_space<hbm>>) dst(%arg10 : memref<40x512xf32, #tpu.memory_space<vmem>>)
    %dma_wait3A_50 = arith.constant 0 : i32
    %dma_wait3A_51 = tpu.memref_slice %arg3[%dma_wait3A_50, %mul3A_2] : memref<200x16384xi32, #tpu.memory_space<hbm>> -> memref<40x512xi32, #tpu.memory_space<hbm>>
    %dma_wait3A_52 = arith.constant 0 : i32
    %dma_wait3A_53 = tpu.memref_slice %arg3[%dma_wait3A_52, %mul3A_2] : memref<200x16384xi32, #tpu.memory_space<hbm>> -> memref<40x512xi32, #tpu.memory_space<hbm>>
    tpu.wait_dma2 semaphore(%arg18 : memref<!tpu.dma_semaphore, #tpu.memory_space<semaphore_mem>>) src(%dma_wait3A_53 : memref<40x512xi32, #tpu.memory_space<hbm>>) dst(%arg12 : memref<40x512xi32, #tpu.memory_space<vmem>>)
    %dma_wait3A_54 = arith.constant 0 : i32
    %dma_wait3A_55 = arith.constant 0 : i32
    %dma_wait3A_56 = tpu.memref_slice %arg6[%dma_wait3A_54, %mul3A_4, %dma_wait3A_55] : memref<200x128x128xf32, #tpu.memory_space<hbm>> -> memref<40x4x128xf32, #tpu.memory_space<hbm>>
    %dma_wait3A_57 = arith.constant 0 : i32
    %dma_wait3A_58 = arith.constant 0 : i32
    %dma_wait3A_59 = tpu.memref_slice %arg6[%dma_wait3A_57, %mul3A_4, %dma_wait3A_58] : memref<200x128x128xf32, #tpu.memory_space<hbm>> -> memref<40x4x128xf32, #tpu.memory_space<hbm>>
    tpu.wait_dma2 semaphore(%arg20 : memref<!tpu.dma_semaphore, #tpu.memory_space<semaphore_mem>>) src(%arg14 : memref<40x4x128xf32, #tpu.memory_space<vmem>>) dst(%dma_wait3A_59 : memref<40x4x128xf32, #tpu.memory_space<hbm>>)
    %parallel_loop3A = arith.constant 0 : i32
    %parallel_loop3A_60 = arith.constant 20480 : i32
    %parallel_loop3A_61 = arith.constant 16 : i32
    scf.for %parallel_loop3A_80 = %parallel_loop3A to %parallel_loop3A_60 step %parallel_loop3A_61  : i32 {
      %parallel_loop3A_81 = arith.constant 512 : i32
      %parallel_loop3A_82 = arith.divsi %parallel_loop3A_80, %parallel_loop3A_81 : i32
      %parallel_loop3A_83 = arith.constant 0 : i32
      %parallel_loop3A_84 = arith.cmpi sgt, %parallel_loop3A_80, %parallel_loop3A_83 : i32
      %parallel_loop3A_85 = arith.extui %parallel_loop3A_84 : i1 to i32
      %parallel_loop3A_86 = arith.constant 0 : i32
      %parallel_loop3A_87 = arith.cmpi slt, %parallel_loop3A_80, %parallel_loop3A_86 : i32
      %parallel_loop3A_88 = arith.extui %parallel_loop3A_87 : i1 to i32
      %parallel_loop3A_89 = arith.subi %parallel_loop3A_85, %parallel_loop3A_88 : i32
      %parallel_loop3A_90 = arith.constant 0 : i32
      %parallel_loop3A_91 = arith.cmpi sgt, %parallel_loop3A_81, %parallel_loop3A_90 : i32
      %parallel_loop3A_92 = arith.extui %parallel_loop3A_91 : i1 to i32
      %parallel_loop3A_93 = arith.constant 0 : i32
      %parallel_loop3A_94 = arith.cmpi slt, %parallel_loop3A_81, %parallel_loop3A_93 : i32
      %parallel_loop3A_95 = arith.extui %parallel_loop3A_94 : i1 to i32
      %parallel_loop3A_96 = arith.subi %parallel_loop3A_92, %parallel_loop3A_95 : i32
      %parallel_loop3A_97 = arith.cmpi ne, %parallel_loop3A_89, %parallel_loop3A_96 : i32
      %parallel_loop3A_98 = arith.remsi %parallel_loop3A_80, %parallel_loop3A_81 : i32
      %parallel_loop3A_99 = arith.constant 0 : i32
      %parallel_loop3A_100 = arith.cmpi ne, %parallel_loop3A_98, %parallel_loop3A_99 : i32
      %parallel_loop3A_101 = arith.andi %parallel_loop3A_97, %parallel_loop3A_100 : i1
      %parallel_loop3A_102 = arith.constant 1 : i32
      %parallel_loop3A_103 = arith.subi %parallel_loop3A_82, %parallel_loop3A_102 : i32
      %parallel_loop3A_104 = arith.select %parallel_loop3A_101, %parallel_loop3A_103, %parallel_loop3A_82 : i32
      %parallel_loop3A_105 = arith.constant 512 : i32
      %parallel_loop3A_106 = arith.muli %parallel_loop3A_104, %parallel_loop3A_105 : i32
      %parallel_loop3A_107 = arith.subi %parallel_loop3A_80, %parallel_loop3A_106 : i32
      %parallel_loop3A_108 = arith.index_cast %parallel_loop3A_104 : i32 to index
      %parallel_loop3A_109 = arith.index_cast %parallel_loop3A_107 : i32 to index
      %parallel_loop3A_110 = tpu.vector_load %arg10[%parallel_loop3A_108, %parallel_loop3A_109] {strides = array<i32>} : memref<40x512xf32, #tpu.memory_space<vmem>>, vector<16xf32>,
      %parallel_loop3A_111 = arith.index_cast %parallel_loop3A_104 : i32 to index
      %parallel_loop3A_112 = arith.index_cast %parallel_loop3A_107 : i32 to index
      %parallel_loop3A_113 = tpu.vector_load %arg12[%parallel_loop3A_111, %parallel_loop3A_112] {strides = array<i32>} : memref<40x512xi32, #tpu.memory_space<vmem>>, vector<16xi32>,
      %parallel_loop3A_114 = tpu.vector_load_idx %arg9[%parallel_loop3A_113] : memref<16xf32, #tpu.memory_space<vmem>>[vector<16xi32>], vector<16xf32>,
      %parallel_loop3A_115 = arith.constant 128 : i32
      %parallel_loop3A_116 = arith.divsi %parallel_loop3A_107, %parallel_loop3A_115 : i32
      %parallel_loop3A_117 = arith.constant 0 : i32
      %parallel_loop3A_118 = arith.cmpi sgt, %parallel_loop3A_107, %parallel_loop3A_117 : i32
      %parallel_loop3A_119 = arith.extui %parallel_loop3A_118 : i1 to i32
      %parallel_loop3A_120 = arith.constant 0 : i32
      %parallel_loop3A_121 = arith.cmpi slt, %parallel_loop3A_107, %parallel_loop3A_120 : i32
      %parallel_loop3A_122 = arith.extui %parallel_loop3A_121 : i1 to i32
      %parallel_loop3A_123 = arith.subi %parallel_loop3A_119, %parallel_loop3A_122 : i32
      %parallel_loop3A_124 = arith.constant 0 : i32
      %parallel_loop3A_125 = arith.cmpi sgt, %parallel_loop3A_115, %parallel_loop3A_124 : i32
      %parallel_loop3A_126 = arith.extui %parallel_loop3A_125 : i1 to i32
      %parallel_loop3A_127 = arith.constant 0 : i32
      %parallel_loop3A_128 = arith.cmpi slt, %parallel_loop3A_115, %parallel_loop3A_127 : i32
      %parallel_loop3A_129 = arith.extui %parallel_loop3A_128 : i1 to i32
      %parallel_loop3A_130 = arith.subi %parallel_loop3A_126, %parallel_loop3A_129 : i32
      %parallel_loop3A_131 = arith.cmpi ne, %parallel_loop3A_123, %parallel_loop3A_130 : i32
      %parallel_loop3A_132 = arith.remsi %parallel_loop3A_107, %parallel_loop3A_115 : i32
      %parallel_loop3A_133 = arith.constant 0 : i32
      %parallel_loop3A_134 = arith.cmpi ne, %parallel_loop3A_132, %parallel_loop3A_133 : i32
      %parallel_loop3A_135 = arith.andi %parallel_loop3A_131, %parallel_loop3A_134 : i1
      %parallel_loop3A_136 = arith.constant 1 : i32
      %parallel_loop3A_137 = arith.subi %parallel_loop3A_116, %parallel_loop3A_136 : i32
      %parallel_loop3A_138 = arith.select %parallel_loop3A_135, %parallel_loop3A_137, %parallel_loop3A_116 : i32
      %parallel_loop3A_139 = arith.mulf %parallel_loop3A_110, %get3A_20 : vector<16xf32>
      %parallel_loop3A_140 = arith.addf %parallel_loop3A_139, %parallel_loop3A_114 : vector<16xf32>
      %parallel_loop3A_141 = math.exp %parallel_loop3A_140 : vector<16xf32>
      %parallel_loop3A_142 = arith.constant 1.000000e+00 : f32
      %parallel_loop3A_143 = vector.broadcast %parallel_loop3A_142 : f32 to vector<16xf32>
      %parallel_loop3A_144 = arith.addf %parallel_loop3A_143, %parallel_loop3A_141 : vector<16xf32>
      %parallel_loop3A_145 = arith.constant 1.000000e+00 : f32
      %parallel_loop3A_146 = vector.broadcast %parallel_loop3A_145 : f32 to vector<16xf32>
      %parallel_loop3A_147 = arith.divf %parallel_loop3A_146, %parallel_loop3A_144 : vector<16xf32>
      %parallel_loop3A_148 = arith.constant 128 : i32
      %parallel_loop3A_149 = arith.muli %parallel_loop3A_138, %parallel_loop3A_148 : i32
      %parallel_loop3A_150 = arith.subi %parallel_loop3A_107, %parallel_loop3A_149 : i32
      %parallel_loop3A_151 = arith.index_cast %parallel_loop3A_104 : i32 to index
      %parallel_loop3A_152 = arith.index_cast %parallel_loop3A_138 : i32 to index
      %parallel_loop3A_153 = arith.index_cast %parallel_loop3A_150 : i32 to index
      %parallel_loop3A_154 = tpu.vector_load %arg14[%parallel_loop3A_151, %parallel_loop3A_152, %parallel_loop3A_153] {strides = array<i32>} : memref<40x4x128xf32, #tpu.memory_space<vmem>>, vector<16xf32>,
      tpu.vector_store %arg14[%parallel_loop3A_151, %parallel_loop3A_152, %parallel_loop3A_153], %parallel_loop3A_147 {strides = array<i32>} : memref<40x4x128xf32, #tpu.memory_space<vmem>>, vector<16xf32>,
    } {sc.loop_unroll_factor = 8 : i64, sc.parallel_access}
    %dma_start3A_62 = arith.constant 160 : i32
    %dma_start3A_63 = arith.constant 0 : i32
    %dma_start3A_64 = tpu.memref_slice %arg6[%dma_start3A_62, %mul3A_4, %dma_start3A_63] : memref<200x128x128xf32, #tpu.memory_space<hbm>> -> memref<40x4x128xf32, #tpu.memory_space<hbm>>
    %dma_start3A_65 = arith.constant 160 : i32
    %dma_start3A_66 = arith.constant 0 : i32
    %dma_start3A_67 = tpu.memref_slice %arg6[%dma_start3A_65, %mul3A_4, %dma_start3A_66] : memref<200x128x128xf32, #tpu.memory_space<hbm>> -> memref<40x4x128xf32, #tpu.memory_space<hbm>>
    tpu.enqueue_dma source(%arg14 : memref<40x4x128xf32, #tpu.memory_space<vmem>>) target(%dma_start3A_67 : memref<40x4x128xf32, #tpu.memory_space<hbm>>) target_semaphore(%arg20 : memref<!tpu.dma_semaphore, #tpu.memory_space<semaphore_mem>>)
    %dma_wait3A_68 = arith.constant 0 : i32
    %dma_wait3A_69 = arith.constant 0 : i32
    %dma_wait3A_70 = tpu.memref_slice %arg6[%dma_wait3A_68, %mul3A_4, %dma_wait3A_69] : memref<200x128x128xf32, #tpu.memory_space<hbm>> -> memref<40x4x128xf32, #tpu.memory_space<hbm>>
    %dma_wait3A_71 = arith.constant 0 : i32
    %dma_wait3A_72 = arith.constant 0 : i32
    %dma_wait3A_73 = tpu.memref_slice %arg6[%dma_wait3A_71, %mul3A_4, %dma_wait3A_72] : memref<200x128x128xf32, #tpu.memory_space<hbm>> -> memref<40x4x128xf32, #tpu.memory_space<hbm>>
    tpu.wait_dma2 semaphore(%arg21 : memref<!tpu.dma_semaphore, #tpu.memory_space<semaphore_mem>>) src(%arg15 : memref<40x4x128xf32, #tpu.memory_space<vmem>>) dst(%dma_wait3A_73 : memref<40x4x128xf32, #tpu.memory_space<hbm>>)
    %dma_wait3A_74 = arith.constant 0 : i32
    %dma_wait3A_75 = arith.constant 0 : i32
    %dma_wait3A_76 = tpu.memref_slice %arg6[%dma_wait3A_74, %mul3A_4, %dma_wait3A_75] : memref<200x128x128xf32, #tpu.memory_space<hbm>> -> memref<40x4x128xf32, #tpu.memory_space<hbm>>
    %dma_wait3A_77 = arith.constant 0 : i32
    %dma_wait3A_78 = arith.constant 0 : i32
    %dma_wait3A_79 = tpu.memref_slice %arg6[%dma_wait3A_77, %mul3A_4, %dma_wait3A_78] : memref<200x128x128xf32, #tpu.memory_space<hbm>> -> memref<40x4x128xf32, #tpu.memory_space<hbm>>
    tpu.wait_dma2 semaphore(%arg20 : memref<!tpu.dma_semaphore, #tpu.memory_space<semaphore_mem>>) src(%arg14 : memref<40x4x128xf32, #tpu.memory_space<vmem>>) dst(%dma_wait3A_79 : memref<40x4x128xf32, #tpu.memory_space<hbm>>)
    return
  }
}

</mosaic_0001>

<sc_bundles>
// kernel: kernel.3.cloned.1.call-start
scs
__scs_entry_jumppad:
0x0: {  	(pc) =	sbr.rel $0x88, $3  }
0x1: {  	(tag) =	ssettag $0x0;
	lr =	simm.s32 $0x1  }
0x2: {  	[smem:$0x3F9C] =	sst lr;
	_ =	strace $0xD0000000  }
0x3: {  	_ = 	snop  }
0x4: {  	_ = 	snop  }
0x5: {  	_ = 	snop  }
0x6: {  	_ = 	snop  }
0x7: {  	_ = 	snop  }
__scs_overlays_trampoline_lowered:
0x8: {  	[smem:$0x3FAB] =	sst s0  }
0x9: {  	[smem:$0x3FAC] =	sst s1  }
0xa: {  	[smem:$0x3FAD] =	sst s2  }
0xb: {  	[smem:$0x3FAE] =	sst s3  }
0xc: {  	[smem:$0x3FAF] =	sst s4  }
0xd: {  	[smem:$0x3FB0] =	sst s5  }
0xe: {  	[smem:$0x3FB1] =	sst s6  }
0xf: {  	[smem:$0x3FB2] =	sst s7  }
0x10: {  	[smem:$0x3FB3] =	sst s8  }
0x11: {  	[smem:$0x3FB4] =	sst s9;
	s0 =	simm.s32 @!p0 $0x0  }
0x12: {  	s1 =	sld [smem:$0x3F9A];
	s0 =	simm.s32 @p0 $0x1  }
0x13: {  	[smem:$0x3FB5] =	sst s0;
	s0 =	simm.s32 @!p1 $0x0  }
0x14: {  	s2 =	sld [smem:$0x3F99];
	s0 =	simm.s32 @p1 $0x1  }
0x15: {  	[smem:$0x3FB6] =	sst s0;
	s0 =	simm.s32 @!p2 $0x0  }
0x16: {  	s3 =	sld [smem:$0x3FDB];
	s0 =	simm.s32 @p2 $0x1  }
0x17: {  	s4 =	simm.s32 $0x1BF5;
	[smem:$0x3FB8] =	sst s0  }
0x18: {  	s0 =	sld [smem:$0x3F9B];
	_ =	swait.ge [sflag:s4], $0x0  }
0x19: {  	s7 =	sld [smem:$0x3F9C]  }
0x1a: {  	s8 =	sadd.s32 $0xFFFFE003, lr  }
0x1b: {  	s9 =	sadd.s32 $0xFFFFFEF7, lr;
	s5 =	simm.s32 $0xFFFFFFFF;
	p2 =	slt.u32 s8, $0xFFFFF086  }
0x1c: {  	p1 =	slt.u32 s9, $0xF7A;
	s5 =	simm.s32 @!p2 $0x0  }
0x1d: {  	s5 =	simm.s32 @p1 $0x1;
	p0 =	seq.s32 s7, s2  }
0x1e: {  	s7 =	smul.u32 @!p0 $0xF7A, s2;
	p2 =	seq.s32 @!p0 s5, $0x0  }
0x1f: {  	s9 =	smul.u32 $0xF7A, s1;
	s8 =	simm.s32 @!p0 $0x1BF5;
	p2 =	por !p2, p0  }
0x20: {  	[sflag:s8] =	ssyncset.s32 @!p0 $0xFFFFF086;
	s6 =	sadd.s32 @!p0 s3, s7;
	s7 =	simm.s32 @!p0 $0x108  }
0x21: {  	s3 =	sadd.s32 s3, s9;
	s6 =	sadd.s32 @!p0 $0x88, s6;
	s7 =	simm.s32 @p2 $0x1082  }
0x22: {  	[simem:s7], [sflag:s8] =	dma.local @!p0 [hbm:s6], $0xF7A  }
0x23: {  	s9 =	sor.u32 $0xD0000000, s2;
	s6 =	simm.s32 $0x108;
	_ =	swait.ge @!p0 [sflag:s8], $0x0  }
0x24: {  	s3 =	sadd.s32 $0x88, s3;
	s6 =	simm.s32 @!p1 $0x1082;
	[sflag:s4] =	ssyncset.s32 $0xFFFFF086  }
0x25: {  	[simem:s6], [sflag:s4] =	dma.local [hbm:s3], $0xF7A  }
0x26: {  	[smem:$0x3F9C] =	sst s1;
	(tag) =	ssettag s2;
	_ =	strace s9  }
0x27: {  	s1 =	sld [smem:$0x3FAC]  }
0x28: {  	s2 =	sld [smem:$0x3FAD]  }
0x29: {  	s4 =	sld [smem:$0x3FAF]  }
0x2a: {  	p0 =	seq.s32 s5, $0x0;
	s5 =	sld [smem:$0x3FB0]  }
0x2b: {  	s6 =	sld [smem:$0x3FB1]  }
0x2c: {  	s7 =	sld [smem:$0x3FB2]  }
0x2d: {  	s3 =	simm.s32 $0x108;
	s8 =	sld [smem:$0x3FB3]  }
0x2e: {  	s3 =	simm.s32 @!p0 $0x1082;
	s9 =	sld [smem:$0x3FB4]  }
0x2f: {  	lr =	sadd.s32 s0, s3;
	s0 =	sld [smem:$0x3FAB]  }
0x30: {  	s3 =	sld [smem:$0x3FAE]  }
0x31: {  	[smem:$0x3FB7] =	sst s10  }
0x32: {  	s10 =	sld [smem:$0x3FB5];
	_ =	sdelay $0x3  }
0x33: {  	p0 =	seq.s32 s10, $0x1;
	s10 =	sld [smem:$0x3FB7];
	_ =	sdelay $0x3  }
0x34: {  	[smem:$0x3FB7] =	sst s10  }
0x35: {  	s10 =	sld [smem:$0x3FB6];
	_ =	sdelay $0x3  }
0x36: {  	p1 =	seq.s32 s10, $0x1;
	s10 =	sld [smem:$0x3FB7];
	_ =	sdelay $0x3  }
0x37: {  	[smem:$0x3FB7] =	sst s10  }
0x38: {  	s10 =	sld [smem:$0x3FB8]  }
0x39: {  	_ = 	snop;
	(pc) =	sbr.ind lr, $3  }
0x3a: {  	_ = 	snop  }
0x3b: {  	_ = 	snop  }
0x3c: {  	p2 =	seq.s32 s10, $0x1;
	s10 =	sld [smem:$0x3FB7]  }
0x3d: {  	_ =	shalt  }
0x3e: {  	_ =	shalt  }
0x3f: {  	_ =	shalt  }
0x40: {  	_ =	shalt  }
0x41: {  	_ =	shalt  }
0x42: {  	_ =	shalt  }
0x43: {  	_ =	shalt  }
0x44: {  	_ =	shalt  }
0x45: {  	_ =	shalt  }
0x46: {  	_ =	shalt  }
0x47: {  	_ =	shalt  }
0x48: {  	_ =	shalt  }
0x49: {  	_ =	shalt  }
0x4a: {  	_ =	shalt  }
0x4b: {  	_ =	shalt  }
0x4c: {  	_ =	shalt  }
0x4d: {  	_ =	shalt  }
0x4e: {  	_ =	shalt  }
0x4f: {  	_ =	shalt  }
0x50: {  	_ =	shalt  }
0x51: {  	_ =	shalt  }
0x52: {  	_ =	shalt  }
0x53: {  	_ =	shalt  }
0x54: {  	_ =	shalt  }
0x55: {  	_ =	shalt  }
0x56: {  	_ =	shalt  }
0x57: {  	_ =	shalt  }
0x58: {  	_ =	shalt  }
0x59: {  	_ =	shalt  }
0x5a: {  	_ =	shalt  }
0x5b: {  	_ =	shalt  }
0x5c: {  	_ =	shalt  }
0x5d: {  	_ =	shalt  }
0x5e: {  	_ =	shalt  }
0x5f: {  	_ =	shalt  }
0x60: {  	_ =	shalt  }
0x61: {  	_ =	shalt  }
0x62: {  	_ =	shalt  }
0x63: {  	_ =	shalt  }
0x64: {  	_ =	shalt  }
0x65: {  	_ =	shalt  }
0x66: {  	_ =	shalt  }
0x67: {  	_ =	shalt  }
0x68: {  	_ =	shalt  }
0x69: {  	_ =	shalt  }
0x6a: {  	_ =	shalt  }
0x6b: {  	_ =	shalt  }
0x6c: {  	_ =	shalt  }
0x6d: {  	_ =	shalt  }
0x6e: {  	_ =	shalt  }
0x6f: {  	_ =	shalt  }
0x70: {  	_ =	shalt  }
0x71: {  	_ =	shalt  }
0x72: {  	_ =	shalt  }
0x73: {  	_ =	shalt  }
0x74: {  	_ =	shalt  }
0x75: {  	_ =	shalt  }
0x76: {  	_ =	shalt  }
0x77: {  	_ =	shalt  }
0x78: {  	_ =	shalt  }
0x79: {  	_ =	shalt  }
0x7a: {  	_ =	shalt  }
0x7b: {  	_ =	shalt  }
0x7c: {  	_ =	shalt  }
0x7d: {  	_ =	shalt  }
0x7e: {  	_ =	shalt  }
0x7f: {  	_ =	shalt  }
0x80: {  	_ =	shalt  }
0x81: {  	_ =	shalt  }
0x82: {  	_ =	shalt  }
0x83: {  	_ =	shalt  }
0x84: {  	_ =	shalt  }
0x85: {  	_ =	shalt  }
0x86: {  	_ =	shalt  }
0x87: {  	_ =	shalt  }
.Lfunc_end0:
.L_simem_size_0:
called_computation_lowered:
.L_overlay_start_0:
0x88: {  	s2 =	sld [smem:$0x3FD9]  }
0x89: {  	s3 =	sld [smem:$0x3FFE];
	_ =	sdelay $0x1  }
0x8a: {  	s1 =	srdreg.scid  }
0x8b: {  	s0 =	sand.u32 $0x1, s1  }
0x8c: {  	s17 =	sshll.u32 s0, $0xA;
	s2 =	sadd.s32 s3, s2  }
0x8d: {  	s2 =	sadd.s32 s2, s17  }
0x8e: {  	[smem:$0x3FC3] =	sst s2  }
0x8f: {  	_ = 	snop  }
0x90: {  	s2 =	sld [smem:$0x3FC9]  }
0x91: {  	s18 =	sld [smem:$0x3FC8]  }
0x92: {  	s4 =	sld [smem:$0x3FD0];
	(tm) =	ssettm $0x1  }
0x93: {  	s5 =	sld [smem:$0x3FFB];
	_ =	sdelay $0x3  }
0x94: {  	_ =	strace s5  }
0x95: {  	s5 =	sld [smem:$0x3FFC];
	_ =	sdelay $0x3  }
0x96: {  	_ =	strace s5  }
0x97: {  	s5 =	sld [smem:$0x3FFD];
	_ =	sdelay $0x3  }
0x98: {  	_ =	strace s5  }
0x99: {  	_ =	strace $0x8FFFFFFF  }
0x9a: {  	s19 =	sld [smem:$0x3FDB];
	_ =	sdelay $0x1  }
0x9b: {  	s6 =	simm.s32 $_scs_section_size  }
0x9c: {  	s7 =	simm.s32 $_size__tile_overlayer_lowered;
	s8 =	simm.s32 $_tile_overlayer_lowered  }
0x9d: {  	s22 =	simm.s32 $0x1BFF;
	s21 =	sshll.u32 s8, $0x1;
	s5 =	sadd.s32 s6, s19  }
0x9e: {  	s9 =	simm.s32 $0x0;
	s20 =	sshll.u32 s7, $0x1;
	s7 =	sadd.s32 s21, s5  }
0x9f: {  	[timem:s9], [sflag:s22] =	dma.local [hbm:s7], s20  }
0xa0: {  	_ =	swait.ge [sflag:s22], s20  }
0xa1: {  	s6 =	ssub.s32 $0x0, s20;
	[sflag:s22] =	ssyncset.done $0x0  }
0xa2: {  	[sflag:s22] =	ssyncadd.s32 s6;
	_ =	sdelay $0x1  }
0xa3: {  	s23 =	simm.s32 $0x1B8B  }
0xa4: {  	_ =	swait.ge [sflag:s23], $0x1  }
0xa5: {  	[sflag:s23] =	ssyncset.done $0x0  }
0xa6: {  	s25 =	simm.s32 $0x1B8E;
	s24 =	sld [smem:$0x3FFE];
	[sflag:s23] =	ssyncadd.s32 $0xFFFFFFFF  }
0xa7: {  	s26 =	simm.s32 $execute0_lowered;
	[smem:$0x3FD2] =	sst s25  }
0xa8: {  	s7 =	sshll.u32 s26, $0x1;
	_ =	strace $0x80000046;
	[dreg:$0x1] =	wrdreg $0xFFFFFFFF  }
0xa9: {  	s28 =	simm.s32 $_size_execute0_lowered;
	s5 =	sadd.s32 s5, s7;
	[dreg:$0x0] =	wrdreg $0x0  }
0xaa: {  	s7 =	sshll.u32 s28, $0x1;
	[dreg:$0x2] =	wrdreg s5  }
0xab: {  	[dreg:$0x3] =	wrdreg s7  }
0xac: {  	[dreg:$0x4] =	wrdreg $0xC0  }
0xad: {  	_ =	task [dreg:s9], $0x5FFFF  }
0xae: {  	[dreg:$0x1] =	wrdreg $0xFFFFFFFF  }
0xaf: {  	[dreg:$0x0] =	wrdreg $0x60  }
0xb0: {  	[dreg:$0x2] =	wrdreg s2  }
0xb1: {  	[dreg:$0x3] =	wrdreg s18  }
0xb2: {  	[dreg:$0x4] =	wrdreg s24  }
0xb3: {  	[dreg:$0x5] =	wrdreg s4  }
0xb4: {  	[dreg:$0x6] =	wrdreg $0x9  }
0xb5: {  	_ =	task.clear_ibuf [dreg:s9], $0x7FFFF;
	_ =	strace $0x90000046  }
0xb6: {  	s29 =	simm.s32 $0x9;
	_ =	strace $0x80000048  }
0xb7: {  	_ =	swait.ge [sflag:s29], $0x1  }
0xb8: {  	[sflag:s29] =	ssyncadd.s32 $0xFFFFFFFF  }
0xb9: {  	_ =	strace $0x90000048  }
0xba: {  	_ =	sfence  }
0xbb: {  	s30 =	sld [smem:$0x0];
	_ =	sdelay $0x2  }
0xbc: {  	s31 =	sshll.u32 s1, $0xD;
	s1 =	sshrl.u32 s1, $0x2  }
0xbd: {  	s3 =	sand.u32 $0x4000, s31;
	s1 =	sadd.s32 s1, s30  }
0xbe: {  	s0 =	sor.u32 s3, s0;
	s1 =	sshll.u32 s1, $0x11  }
0xbf: {  	s0 =	sor.u32 s1, s0  }
0xc0: {  	s0 =	sadd.s32 $0x8F2B, s0  }
0xc1: {  	[sflag:s0] =	ssyncadd.remote.s32 $0x1  }
0xc2: {  	_ =	sfence.sel $0xFFFF  }
0xc3: {  	[dreg:$0x0] =	wrdreg $0xFFFFFFFF;
	(pc) =	sbr.abs _section_cstart, $3  }
0xc4: {  	[dreg:$0x1] =	wrdreg $0xFFFFFFFF  }
0xc5: {  	_ =	task.clear_ibuf [dreg:s9], $0x2FFFF;
	_ =	strace $0x9FFFFFFF  }
0xc6: {  	(tm) =	ssettm $0x7FFFFFFF  }
0xc7: {  	_ =	shalt  }
tec
execute0_lowered:
.L_overlay_start_1:
0x0: {  	(tag) =	ssettag $0x1  }
0x1: {  	s7 =	rddreg [dreg:$0x0]  }
0x2: {  	s8 =	rddreg [dreg:$0x1]  }
0x3: {  	s0 =	rddreg [dreg:$0x2]  }
0x4: {  	s10 =	rddreg [dreg:$0x3]  }
0x5: {  	s2 =	simm.s32 $0x0;
	s1 =	srdreg.scid;
	s9 =	stileid.u32  }
0x6: {  	[smem:$0x7FF] =	sst s2;
	s1 =	sand.u32 $0x1, s1;
	s20 =	sshll.u32 s9, $0x1  }
0x7: {  	s3 =	sadd.s32 $0x600, s0;
	s0 =	sadd.s32 $0x800, s0;
	s29 =	sshll.u32 s9, $0xA  }
0x8: {  	_ =	strace $0x80000047;
	s2 =	sor.u32 s1, s20;
	[dreg:$0x5] =	wrdreg s3  }
0x9: {  	s21 =	ssub.s32 $0x2, s1;
	s1 =	sshll.u32 s1, $0x9;
	[dreg:$0x6] =	wrdreg s0  }
0xa: {  	s4 =	sshll.u32 s2, $0x9;
	s5 =	sshrl.u32 s21, $0x1;
	s24 =	sshll.u32 s2, $0xC  }
0xb: {  	v0 =	vimm.s32 $0xECA86420;
	v1 =	vimm.s32 $0xFDB97531;
	s6 =	sand.u32 $0x3C00, s4;
	s25 =	sadd.s32 s7, s4;
	[dreg:$0x7] =	wrdreg s24  }
0xc: {  	v0 =	vunpack.c.l.s4.s8 v0;
	v1 =	vunpack.c.l.s4.s8 v1;
	s22 =	ssub.s32 s21, s5;
	s28 =	sadd.s32 s8, s4;
	[dreg:$0x8] =	wrdreg s25  }
0xd: {  	s30 =	sor.u32 $0x140000, s24;
	s23 =	sor.u32 s1, s6;
	[dreg:$0x9] =	wrdreg s28  }
0xe: {  	v0 =	vunpack.c.0.s8.s32 v0;
	v1 =	vunpack.c.0.s8.s32 v1;
	[dreg:$0xa] =	wrdreg s30;
	s1 =	sor.u32 s29, s1;
	s26 =	sshrl.u32 s23, $0x3  }
0xf: {  	s0 =	smax.u32 s22, $0x1;
	[dreg:$0xb] =	wrdreg s1;
	s2 =	sadd.s32 s26, s10  }
0x10: {  	vm0 =	vcmask $0x1F00;
	v0 =	vand.u32 $0xF, v0;
	v1 =	vand.u32 $0xF, v1;
	[dreg:$0xd] =	wrdreg s0;
	s31 =	sadd.s32 $0x50000, s2  }
0x11: {  	s25 =	simm.s32 $0x100;
	v0 =	vnsel vm0, $0xE, v0;
	v1 =	vnsel vm0, $0xF, v1;
	s2 =	simm.s32 $0x0;
	[dreg:$0xc] =	wrdreg s31  }
.LBB2_1:
0x12: {  	[dreg:$0xe] =	wrdreg s2  }
0x13: {  	s0 =	simm.s32 $0x0;
	s1 =	rddreg [dreg:$0x5];
	s22 =	simm.s32 $0x7  }
0x14: {  	[tilespmem:s0], [sflag:$0x7] =	stream.linear.gather [hbm4b:s1+s0], $0x80, $0x38;
	[tilespmem:$0x1E180] =	vst v63  }
0x15: {  	_ =	swait.ge [sflag:s22], $0x80  }
0x16: {  	[sflag:s22] =	ssyncset.done $0x0  }
0x17: {  	s3 =	simm.s32 $0x80;
	s23 =	rddreg [dreg:$0x6];
	[sflag:s22] =	ssyncadd.s32 $0xFFFFFF80  }
0x18: {  	[tilespmem:s3], [sflag:$0x7] =	stream.linear.gather [hbm4b:s23+s0], $0x80, $0x38;
	[tilespmem:$0x1E180] =	vst v63  }
0x19: {  	_ =	swait.ge [sflag:s22], $0x80  }
0x1a: {  	[sflag:s22] =	ssyncset.done $0x0  }
0x1b: {  	[sflag:s22] =	ssyncadd.s32 $0xFFFFFF80  }
0x1c: {  	v2 =	vld.idx.msk [tilespmem:v0+s0+$0x0], $0xffff  }
0x1d: {  	v3 =	vld.idx.msk [tilespmem:v1+s0+$0x0], $0xffff  }
0x1e: {  	v4 =	vld [tilespmem:$0x90]  }
0x1f: {  	v5 =	vld [tilespmem:$0xA0];
	_ =	sdelay $0x3  }
0x20: {  	v6 =	vld [tilespmem:$0xB0]  }
0x21: {  	v2 =	vmul.f32 v4, v2;
	v3 =	vmul.f32 v5, v3;
	_ =	sdelay $0x1  }
0x22: {  	v2 =	vadd.f32 v3, v2;
	_ =	sdelay $0x1  }
0x23: {  	v2 =	vadd.f32 v2, v6;
	_ =	sdelay $0x1  }
0x24: {  	v3 =	vsub.f32 $0.0e+00, v2  }
0x25: {  	s26 =	simm.s32 $0x1000;
	s28 =	simm.s32 $0x20000;
	s29 =	simm.s32 $0x180  }
0x26: {  	s31 =	simm.s32 $0xA180;
	p2 =	por $0x1, $0x1;
	s24 =	rddreg [dreg:$0x8];
	[tilespmem:$0x100] =	vst v3  }
0x27: {  	v2 =	vld [tilespmem:$0x80];
	[tilespmem:s29], [sflag:$0x1] =	stream.strided.gather [hbm4b:s24+s26], $0x5000, s28, s26, $0x38  }
0x28: {  	p1 =	por $0x0, $0x0;
	s30 =	rddreg [dreg:$0x9];
	s0 =	simm.s32 $0x0  }
0x29: {  	[tilespmem:s31], [sflag:$0x3] =	stream.strided.gather [hbm4b:s30+s26], $0x5000, s28, s26, $0x38;
	[tilespmem:$0x1E180] =	vst v63  }
.LBB2_2:
0x2a: {  	[dreg:$0x10] =	wrdreg s0  }
0x2b: {  	s1 =	sor.u32 $0xA0000, s0;
	s12 =	rddreg [dreg:$0x7]  }
0x2c: {  	s13 =	rddreg [dreg:$0x0];
	s2 =	simm.s32 $0x1000;
	s0 =	sor.u32 s12, s1  }
0x2d: {  	s3 =	simm.s32 $0x20000;
	s14 =	rddreg [dreg:$0x1];
	s0 =	sshrl.u32 s0, $0x3  }
0x2e: {  	s4 =	simm.s32 $0x5180;
	[dreg:$0xf] =	wrdreg s1;
	s1 =	sadd.s32 s13, s0  }
0x2f: {  	[tilespmem:s4], [sflag:$0x2] =	stream.strided.gather [hbm4b:s1+s2], $0x5000, s3, s2, $0x38;
	[tilespmem:$0x1E180] =	vst v63  }
0x30: {  	s15 =	simm.s32 $0xF180;
	s16 =	simm.s32 $0x1;
	s0 =	sadd.s32 s14, s0  }
0x31: {  	[tilespmem:s15], [sflag:$0x4] =	stream.strided.gather [hbm4b:s0+s2], $0x5000, s3, s2, $0x38;
	[tilespmem:$0x1E180] =	vst v63  }
0x32: {  	_ =	swait.ge [sflag:s16], $0x5000  }
0x33: {  	[sflag:s16] =	ssyncset.done $0x0  }
0x34: {  	s17 =	simm.s32 $0x3;
	s18 =	simm.s32 $0x0;
	[sflag:s16] =	ssyncadd.s32 $0xFFFFB000  }
0x35: {  	s10 =	simm.s32 $0x0;
	s0 =	sand.u32 $0xFFFFF000, s18;
	_ =	swait.ge [sflag:s17], $0x5000  }
0x36: {  	s21 =	sand.u32 $0x7000, s10;
	s19 =	ssub.s32 $0x0, s0;
	[sflag:s17] =	ssyncset.done $0x0  }
0x37: {  	s1 =	simm.s32 @p1 $0x5;
	s20 =	sadd.s32 $0x380, s19;
	[sflag:s17] =	ssyncadd.s32 $0xFFFFB000  }
0x38: {  	s13 =	simm.s32 $0x0;
	s3 =	sand.u32 $0xFFFFFC00, s20;
	_ =	swait.ge @p1 [sflag:s1], $0x5000  }
0x39: {  	s5 =	sand.u32 $0x380, s13;
	s3 =	sadd.s32 s21, s3;
	[sflag:s1] =	ssyncset.done @p1 $0x0  }
0x3a: {  	s22 =	sor.u32 s5, s3;
	[sflag:s1] =	ssyncadd.s32 @p1 $0xFFFFB000  }
0x3b: {  	v3 =	vld [tilespmem:s22+$0xA1F0];
	_ =	sdelay $0x1  }
0x3c: {  	s6 =	simm.s32 $0x0  }
0x3d: {  	s6 =	sand.u32 $0x380, s6;
	s8 =	sand.u32 $0xFFFFF000, s13;
	s23 =	sadd.s32 $0x80, s19  }
0x3e: {  	s11 =	sadd.s32 $0x100, s19;
	s14 =	sadd.s32 $0x180, s19;
	s3 =	sand.u32 $0xFFFFFC00, s23  }
0x3f: {  	s15 =	sadd.s32 $0x200, s19;
	s2 =	sadd.s32 $0x300, s19;
	s3 =	sadd.s32 s21, s3  }
0x40: {  	s16 =	sadd.s32 $0x280, s19;
	s11 =	sand.u32 $0xFFFFFC00, s11;
	s3 =	sor.u32 s5, s3;
	v5 =	vld [tilespmem:s22+$0x1F0]  }
0x41: {  	s14 =	sand.u32 $0xFFFFFC00, s14;
	s24 =	sand.u32 $0xFFFFFC00, s15;
	s11 =	sadd.s32 s21, s11;
	v4 =	vld [tilespmem:s3+$0xA190]  }
0x42: {  	s14 =	sadd.s32 s21, s14;
	s26 =	sand.u32 $0xFFFFFC00, s16;
	s11 =	sor.u32 s5, s11;
	v3 =	vld.idx.msk [tilespmem:v3+s25+$0x0], $0xffff  }
0x43: {  	s2 =	sand.u32 $0xFFFFFC00, s2;
	s14 =	sor.u32 s5, s14;
	s15 =	sadd.s32 s21, s26;
	v6 =	vld [tilespmem:s11+$0xA1A0]  }
0x44: {  	s8 =	sadd.s32 $0x0, s8;
	s2 =	sadd.s32 s21, s2;
	s28 =	sor.u32 s5, s15;
	v7 =	vld [tilespmem:s14+$0xA1B0]  }
0x45: {  	s6 =	sadd.s32 s6, s8;
	s2 =	sor.u32 s5, s2;
	v9 =	vld [tilespmem:s28+$0xA1D0];
	v5 =	vmul.f32 v5, v2  }
0x46: {  	s0 =	ssub.s32 s6, s0;
	v10 =	vld [tilespmem:s2+$0xA1E0]  }
0x47: {  	v11 =	vld [tilespmem:s0+$0xA180];
	v3 =	vadd.f32 v3, v5  }
0x48: {  	v12 =	vld [tilespmem:s11+$0x1A0]  }
0x49: {  	v13 =	vld [tilespmem:s14+$0x1B0];
	v3 =	vmul.f32 $1.442695020e+00, v3  }
0x4a: {  	s1 =	sadd.s32 s21, s24;
	v15 =	vld [tilespmem:s2+$0x1E0]  }
0x4b: {  	s1 =	sor.u32 s5, s1;
	v16 =	vld [tilespmem:s0+$0x180];
	(erf) = vpow2.f32 v3  }
0x4c: {  	v8 =	vld [tilespmem:s1+$0xA1C0]  }
0x4d: {  	v5 =	vld [tilespmem:s3+$0x190]  }
0x4e: {  	v4 =	vld.idx.msk [tilespmem:v4+s25+$0x0], $0xffff  }
0x4f: {  	s30 =	sand.u32 $0xFFFFFE00, s13;
	v6 =	vld.idx.msk [tilespmem:v6+s25+$0x0], $0xffff  }
0x50: {  	s9 =	ssub.s32 $0x0, s30;
	v14 =	vld [tilespmem:s1+$0x1C0]  }
0x51: {  	p0 =	por p2, p2;
	s4 =	sadd.s32 $0x20, s9;
	s16 =	ssub.s32 $0x40, s30;
	v7 =	vld.idx.msk [tilespmem:v7+s25+$0x0], $0xffff  }
0x52: {  	s6 =	sadd.s32 $0x10, s9;
	s19 =	sshll.u32 s4, $0x10;
	s31 =	sadd.s32 $0xFFFFFF80, s16;
	v12 =	vmul.f32 v12, v2;
	v10 =	vld.idx.msk [tilespmem:v10+s25+$0x0], $0xffff;
	v5 =	vmul.f32 v5, v2  }
0x53: {  	s18 =	sshll.u32 s6, $0x10;
	s23 =	sshra.s32 s19, $0x1F;
	s7 =	sadd.s32 $0xB0, s31;
	v3 =	vld [tilespmem:s28+$0x1D0]  }
0x54: {  	s15 =	ssub.s32 $0xFFFFFF80, s30;
	s30 =	sand.u32 $0x7F, s23;
	s8 =	sshll.u32 s7, $0x10;
	v8 =	vld.idx.msk [tilespmem:v8+s25+$0x0], $0xffff;
	v6 =	vadd.f32 v6, v12;
	v4 =	vadd.f32 v4, v5;
	v17 =	vpop (erf)  }
0x55: {  	s21 =	sshra.s32 s18, $0x1F;
	s5 =	simm.s32 $0xFFFFFF80;
	s11 =	sshra.s32 s8, $0x1F;
	v13 =	vmul.f32 v13, v2;
	v14 =	vmul.f32 v14, v2;
	v9 =	vld.idx.msk [tilespmem:v9+s25+$0x0], $0xffff;
	v62 =	vadd.f32 $1.000000000e+00, v17  }
0x56: {  	s14 =	simm.s32 $0x14180;
	s2 =	sadd.s32 $0x50, s9;
	s12 =	sand.u32 $0x7F, s11;
	v11 =	vld.idx.msk [tilespmem:v11+s25+$0x0], $0xffff;
	v6 =	vmul.f32 $1.442695020e+00, v6;
	v4 =	vmul.f32 $1.442695020e+00, v4  }
0x57: {  	s22 =	sadd.s32 $0x70, s31;
	s0 =	sadd.s32 $0x80, s31;
	s17 =	sadd.s32 s12, s7;
	v5 =	vmul.f32 v15, v2;
	(erf) = vrcp.f32 v62  }
0x58: {  	s1 =	sadd.s32 $0x60, s9;
	s20 =	sshll.u32 s2, $0x10;
	s8 =	sshll.u32 s17, $0x10;
	v7 =	vadd.f32 v7, v13;
	v3 =	vmul.f32 v3, v2;
	(erf) = vpow2.f32 v4  }
0x59: {  	s18 =	sshll.u32 s22, $0x10;
	s8 =	sshra.s32 s8, $0x17;
	v63 =	vmul.f32 v16, v2;
	s3 =	sshra.s32 s7, $0x1F;
	v8 =	vadd.f32 v8, v14;
	v5 =	vadd.f32 v10, v5  }
0x5a: {  	s23 =	sshll.u32 s0, $0x10;
	s3 =	sadd.s32 s8, s3;
	s8 =	sadd.s32 s30, s4;
	v7 =	vmul.f32 $1.442695020e+00, v7;
	v3 =	vadd.f32 v9, v3;
	(erf) = vpow2.f32 v6  }
0x5b: {  	s17 =	sshll.u32 s1, $0x10;
	s24 =	sshll.u32 s3, $0x7;
	s8 =	sshll.u32 s8, $0x10;
	v5 =	vmul.f32 $1.442695020e+00, v5;
	v4 =	vmul.f32 $1.442695020e+00, v8;
	v6 =	vadd.f32 v11, v63  }
0x5c: {  	s4 =	sshra.s32 s4, $0x1F;
	s31 =	ssub.s32 $0xFFFFFF80, s24;
	s8 =	sshra.s32 s8, $0x17;
	v3 =	vmul.f32 $1.442695020e+00, v3;
	(erf) = vpow2.f32 v7  }
0x5d: {  	s28 =	sand.u32 $0x7F, s21;
	s21 =	sand.u32 $0x7E00, s10;
	s11 =	sadd.s32 s16, s31;
	(erf) = vpow2.f32 v4;
	v4 =	vmul.f32 $1.442695020e+00, v6  }
0x5e: {  	s29 =	sadd.s32 s8, s4;
	s4 =	sshra.s32 s23, $0x1F;
	s31 =	sshra.s32 s2, $0x1F;
	(erf) = vpow2.f32 v3  }
0x5f: {  	s26 =	sadd.s32 s28, s6;
	s3 =	sadd.s32 $0x14180, s21;
	s11 =	sadd.s32 $0xB0, s11;
	(erf) = vpow2.f32 v5  }
0x60: {  	s6 =	sshra.s32 s6, $0x1F;
	s28 =	sshra.s32 s17, $0x1F;
	s4 =	sand.u32 $0x7F, s4;
	(erf) = vpow2.f32 v4;
	v3 =	vpop (erf)  }
0x61: {  	s21 =	simm.s32 $0x0;
	s11 =	sand.u32 $0xFFFFFF80, s11;
	s19 =	sadd.s32 s24, s3;
	v4 =	vpop (erf)  }
0x62: {  	s7 =	sshll.u32 s26, $0x10;
	s24 =	sshra.s32 s20, $0x1F;
	s4 =	sadd.s32 s4, s0;
	v4 =	vadd.f32 $1.000000000e+00, v4  }
0x63: {  	s9 =	sadd.s32 s11, s19;
	s12 =	sshra.s32 s7, $0x17;
	s8 =	sand.u32 $0x7F, s24;
	v5 =	vpop (erf)  }
0x64: {  	s11 =	sand.u32 $0x7F, s28;
	s4 =	sshll.u32 s4, $0x10;
	s19 =	sadd.s32 s12, s6;
	v5 =	vadd.f32 $1.000000000e+00, v5  }
0x65: {  	s6 =	sshra.s32 s18, $0x1F;
	s8 =	sadd.s32 s8, s2;
	s11 =	sadd.s32 s11, s1;
	v6 =	vpop (erf)  }
0x66: {  	s2 =	sshra.s32 s4, $0x17;
	s6 =	sand.u32 $0x7F, s6;
	s8 =	sshll.u32 s8, $0x10;
	v6 =	vadd.f32 $1.000000000e+00, v6;
	(erf) = vrcp.f32 v4;
	v4 =	vpop (erf)  }
0x67: {  	s11 =	sshll.u32 s11, $0x10;
	s6 =	sadd.s32 s6, s22;
	s30 =	sshra.s32 s8, $0x17;
	(erf) = vrcp.f32 v5;
	v7 =	vadd.f32 $1.000000000e+00, v4;
	v4 =	vpop (erf)  }
0x68: {  	s8 =	sshra.s32 s11, $0x17;
	s11 =	sshra.s32 s1, $0x1F;
	s6 =	sshll.u32 s6, $0x10;
	(erf) = vrcp.f32 v6;
	v5 =	vpop (erf)  }
0x69: {  	s4 =	sadd.s32 s30, s31;
	s1 =	sshra.s32 s6, $0x17;
	s6 =	simm.s32 $0x80;
	[tilespmem:s9+$0x70] =	vst v3;
	v3 =	vadd.f32 $1.000000000e+00, v4;
	v4 =	vadd.f32 $1.000000000e+00, v5;
	v5 =	vpop (erf);
	(erf) = vrcp.f32 v7  }
.LBB2_3:
0x6a: {  	s26 =	sshll.u32 s6, $0x3  }
0x6b: {  	s28 =	sand.u32 $0xFFFFF000, s6;
	s31 =	sshrl.u32 s6, $0x2;
	v5 =	vadd.f32 $1.000000000e+00, v5;
	(erf) = vrcp.f32 v3;
	s20 =	smov.u32 s10  }
0x6c: {  	s13 =	sadd.s32 $0x400, s13;
	s30 =	sand.u32 $0xFFFFF000, s26;
	s31 =	sand.u32 $0x380, s31;
	(erf) = vrcp.f32 v4  }
0x6d: {  	s28 =	sadd.s32 s28, s13;
	s26 =	sadd.s32 s8, s11;
	s23 =	ssub.s32 s13, s30;
	(erf) = vrcp.f32 v5  }
0x6e: {  	s10 =	sadd.s32 $0x80, s10;
	s8 =	sadd.s32 $0x80, s23;
	s11 =	sadd.s32 $0x380, s23  }
0x6f: {  	s21 =	sadd.s32 $0x20, s21;
	s24 =	sand.u32 $0x7000, s10;
	s11 =	sand.u32 $0xFFFFFC00, s11  }
0x70: {  	s12 =	sand.u32 $0x380, s21;
	s17 =	sadd.s32 $0x100, s23;
	s11 =	sadd.s32 s24, s11;
	v4 =	vpop (erf)  }
0x71: {  	s18 =	sadd.s32 $0x180, s23;
	s7 =	sadd.s32 $0x200, s23;
	s9 =	sor.u32 s12, s11;
	v5 =	vpop (erf)  }
0x72: {  	s8 =	sand.u32 $0xFFFFFC00, s8;
	s11 =	sadd.s32 $0x280, s23;
	s23 =	sadd.s32 $0x300, s23;
	v6 =	vld [tilespmem:s9+$0xA1F0];
	v7 =	vpop (erf)  }
0x73: {  	s17 =	sand.u32 $0xFFFFFC00, s17;
	s18 =	sand.u32 $0xFFFFFC00, s18;
	s7 =	sand.u32 $0xFFFFFC00, s7;
	v8 =	vpop (erf)  }
0x74: {  	s8 =	sadd.s32 s24, s8;
	s11 =	sand.u32 $0xFFFFFC00, s11;
	s23 =	sand.u32 $0xFFFFFC00, s23;
	v9 =	vpop (erf)  }
0x75: {  	s17 =	sadd.s32 s24, s17;
	s18 =	sadd.s32 s24, s18;
	s7 =	sadd.s32 s24, s7;
	v3 =	vpop (erf)  }
0x76: {  	s31 =	sadd.s32 s31, s28;
	s11 =	sadd.s32 s24, s11;
	s23 =	sadd.s32 s24, s23;
	v10 =	vpop (erf)  }
0x77: {  	s17 =	sor.u32 s12, s17;
	s18 =	sor.u32 s12, s18;
	s24 =	sor.u32 s12, s8;
	[tilespmem:s14+$0x0] =	vst v10  }
0x78: {  	s7 =	sor.u32 s12, s7;
	s28 =	sor.u32 s12, s11;
	s11 =	sor.u32 s12, s23;
	v10 =	vld [tilespmem:s24+$0xA190]  }
0x79: {  	s0 =	sshra.s32 s0, $0x1F;
	s8 =	ssub.s32 s31, s30;
	v11 =	vld [tilespmem:s9+$0x1F0];
	s9 =	sshra.s32 s22, $0x1F  }
0x7a: {  	s12 =	sshll.u32 s19, $0x7;
	s19 =	sshll.u32 s29, $0x7;
	v6 =	vld.idx.msk [tilespmem:v6+s25+$0x0], $0xffff;
	s1 =	sadd.s32 s1, s9  }
0x7b: {  	s0 =	sadd.s32 s2, s0;
	s2 =	sshll.u32 s4, $0x7;
	s4 =	sshll.u32 s26, $0x7;
	v12 =	vld [tilespmem:s17+$0xA1A0]  }
0x7c: {  	s22 =	ssub.s32 s5, s19;
	s9 =	ssub.s32 s5, s12;
	s1 =	sshll.u32 s1, $0x7;
	v13 =	vld [tilespmem:s18+$0xA1B0]  }
0x7d: {  	s0 =	sshll.u32 s0, $0x7;
	s23 =	ssub.s32 s5, s2;
	s5 =	ssub.s32 s5, s4;
	v14 =	vld [tilespmem:s7+$0xA1C0]  }
0x7e: {  	s22 =	sadd.s32 s16, s22;
	s9 =	sadd.s32 s16, s9;
	s26 =	ssub.s32 s15, s1;
	v15 =	vld [tilespmem:s28+$0xA1D0];
	v11 =	vmul.f32 v11, v2  }
0x7f: {  	s23 =	sadd.s32 s16, s23;
	s5 =	sadd.s32 s16, s5;
	s15 =	ssub.s32 s15, s0;
	v16 =	vld [tilespmem:s11+$0xA1E0]  }
0x80: {  	s16 =	sadd.s32 $0x60, s22;
	s9 =	sadd.s32 $0x50, s9;
	s22 =	sadd.s32 $0xB0, s26;
	v17 =	vld [tilespmem:s8+$0xA180];
	v6 =	vadd.f32 v6, v11  }
0x81: {  	s23 =	sadd.s32 $0x90, s23;
	s5 =	sadd.s32 $0xA0, s5;
	s15 =	sadd.s32 $0xC0, s15;
	v11 =	vld [tilespmem:s24+$0x190]  }
0x82: {  	s16 =	sand.u32 $0xFFFFFF80, s16;
	s9 =	sand.u32 $0xFFFFFF80, s9;
	v18 =	vld [tilespmem:s17+$0x1A0];
	v6 =	vmul.f32 $1.442695020e+00, v6;
	s17 =	sand.u32 $0xFFFFFF80, s22  }
0x83: {  	s5 =	sand.u32 $0xFFFFFF80, s5;
	s15 =	sand.u32 $0xFFFFFF80, s15;
	v19 =	vld [tilespmem:s18+$0x1B0];
	s18 =	sand.u32 $0xFFFFFF80, s23  }
0x84: {  	s1 =	sadd.s32 s1, s3;
	s0 =	sadd.s32 s0, s3;
	v20 =	vld [tilespmem:s7+$0x1C0];
	(erf) = vpow2.f32 v6;
	s7 =	sadd.s32 s12, s3  }
0x85: {  	s2 =	sadd.s32 s2, s3;
	s12 =	sadd.s32 s19, s3;
	s3 =	sadd.s32 s4, s3;
	v6 =	vld [tilespmem:s28+$0x1D0]  }
0x86: {  	s1 =	sadd.s32 s17, s1;
	s4 =	sadd.s32 s9, s7;
	s7 =	sadd.s32 s16, s12;
	v11 =	vmul.f32 v11, v2;
	v21 =	vld [tilespmem:s11+$0x1E0]  }
0x87: {  	s0 =	sadd.s32 s15, s0;
	s2 =	sadd.s32 s18, s2;
	s3 =	sadd.s32 s5, s3;
	v22 =	vld [tilespmem:s8+$0x180];
	v18 =	vmul.f32 v18, v2;
	[tilespmem:s4+$0x10] =	vst v4  }
0x88: {  	p2 =	slt.u32 s10, $0x4F80;
	s5 =	smov.u32 s20;
	v4 =	vld.idx.msk [tilespmem:v10+s25+$0x0], $0xffff;
	v10 =	vmul.f32 v19, v2;
	[tilespmem:s7+$0x20] =	vst v5  }
0x89: {  	s14 =	sadd.s32 $0x80, s14;
	s17 =	sand.u32 $0x7E00, s10;
	s4 =	sand.u32 $0xFFFFFE00, s6;
	v5 =	vld.idx.msk [tilespmem:v12+s25+$0x0], $0xffff;
	v12 =	vmul.f32 v20, v2;
	[tilespmem:s1+$0x30] =	vst v7  }
0x8a: {  	s16 =	ssub.s32 $0x40, s4;
	s7 =	ssub.s32 s10, s4;
	s15 =	ssub.s32 s5, s4;
	v7 =	vld.idx.msk [tilespmem:v13+s25+$0x0], $0xffff;
	v6 =	vmul.f32 v6, v2;
	[tilespmem:s0+$0x40] =	vst v8  }
0x8b: {  	s20 =	sadd.s32 $0x10, s7;
	s19 =	sadd.s32 $0x20, s7;
	s0 =	sadd.s32 s16, s5;
	v8 =	vld.idx.msk [tilespmem:v14+s25+$0x0], $0xffff;
	v13 =	vmul.f32 v21, v2;
	[tilespmem:s2+$0x50] =	vst v9  }
0x8c: {  	s1 =	sadd.s32 $0x50, s7;
	s29 =	sadd.s32 $0x60, s7;
	s2 =	sadd.s32 $0xB0, s0;
	v9 =	vmul.f32 v22, v2;
	v14 =	vld.idx.msk [tilespmem:v15+s25+$0x0], $0xffff;
	[tilespmem:s3+$0x60] =	vst v3  }
0x8d: {  	s4 =	sshll.u32 s19, $0x10;
	s3 =	sshll.u32 s20, $0x10;
	s7 =	sshll.u32 s2, $0x10;
	v3 =	vld.idx.msk [tilespmem:v16+s25+$0x0], $0xffff;
	v15 =	vpop (erf)  }
0x8e: {  	s22 =	sadd.s32 $0x70, s0;
	s0 =	sadd.s32 $0x80, s0;
	v4 =	vadd.f32 v4, v11;
	s7 =	sshra.s32 s7, $0x1F;
	v16 =	vld.idx.msk [tilespmem:v17+s25+$0x0], $0xffff;
	v11 =	vadd.f32 $1.000000000e+00, v15  }
0x8f: {  	s8 =	sshll.u32 s1, $0x10;
	s9 =	sshll.u32 s29, $0x10;
	v5 =	vadd.f32 v5, v18;
	s7 =	sand.u32 $0x7F, s7  }
0x90: {  	s4 =	sshra.s32 s4, $0x1F;
	s3 =	sshra.s32 s3, $0x1F;
	v4 =	vmul.f32 $1.442695020e+00, v4;
	v7 =	vadd.f32 v7, v10;
	s7 =	sadd.s32 s7, s2;
	(erf) = vrcp.f32 v11  }
0x91: {  	s11 =	sshll.u32 s22, $0x10;
	s12 =	sshll.u32 s0, $0x10;
	v5 =	vmul.f32 $1.442695020e+00, v5;
	v8 =	vadd.f32 v8, v12;
	s7 =	sshll.u32 s7, $0x10  }
0x92: {  	s8 =	sshra.s32 s8, $0x1F;
	s2 =	sshra.s32 s2, $0x1F;
	v7 =	vmul.f32 $1.442695020e+00, v7;
	v6 =	vadd.f32 v14, v6;
	s7 =	sshra.s32 s7, $0x17;
	(erf) = vpow2.f32 v4  }
0x93: {  	s9 =	sshra.s32 s9, $0x1F;
	s3 =	sand.u32 $0x7F, s3;
	v4 =	vmul.f32 $1.442695020e+00, v8;
	v3 =	vadd.f32 v3, v13;
	s2 =	sadd.s32 s7, s2;
	(erf) = vpow2.f32 v5  }
0x94: {  	s4 =	sand.u32 $0x7F, s4;
	s7 =	sshra.s32 s11, $0x1F;
	v5 =	vadd.f32 v16, v9;
	v6 =	vmul.f32 $1.442695020e+00, v6;
	s2 =	sshll.u32 s2, $0x7;
	(erf) = vpow2.f32 v7  }
0x95: {  	s8 =	sand.u32 $0x7F, s8;
	s11 =	sshra.s32 s12, $0x1F;
	v3 =	vmul.f32 $1.442695020e+00, v3;
	s12 =	ssub.s32 s5, s2;
	(erf) = vpow2.f32 v4  }
0x96: {  	s9 =	sand.u32 $0x7F, s9;
	s4 =	sadd.s32 s4, s19;
	v4 =	vmul.f32 $1.442695020e+00, v5;
	s12 =	sadd.s32 s16, s12;
	(erf) = vpow2.f32 v6  }
0x97: {  	s18 =	sadd.s32 s3, s20;
	s3 =	sadd.s32 $0x14180, s17;
	s12 =	sadd.s32 $0xB0, s12;
	(erf) = vpow2.f32 v3  }
0x98: {  	s8 =	sadd.s32 s8, s1;
	s2 =	sadd.s32 s2, s3;
	s12 =	sand.u32 $0xFFFFFF80, s12;
	(erf) = vpow2.f32 v4  }
0x99: {  	s7 =	sand.u32 $0x7F, s7;
	s11 =	sand.u32 $0x7F, s11;
	s2 =	sadd.s32 s12, s2;
	v3 =	vpop (erf)  }
0x9a: {  	s9 =	sadd.s32 s9, s29;
	s8 =	sshll.u32 s8, $0x10;
	s12 =	sshll.u32 s18, $0x10;
	[tilespmem:s2+$0x70] =	vst v3  }
0x9b: {  	s2 =	sshll.u32 s4, $0x10;
	s4 =	sadd.s32 s7, s22;
	s7 =	sadd.s32 s11, s0;
	v3 =	vpop (erf)  }
0x9c: {  	s9 =	sshll.u32 s9, $0x10;
	s12 =	sshra.s32 s12, $0x17;
	s2 =	sshra.s32 s2, $0x17;
	v6 =	vadd.f32 $1.000000000e+00, v3;
	v4 =	vpop (erf)  }
.Ltmp0:
0x9d: {  	s4 =	sshll.u32 s4, $0x10;
	s7 =	sshll.u32 s7, $0x10;
	v7 =	vadd.f32 $1.000000000e+00, v4;
	v5 =	vpop (erf);
	(pc) =	sbr.rel @p2 .LBB2_3-.Ltmp0, $4  }
0x9e: {  	s17 =	sshra.s32 s20, $0x1F;
	s18 =	sshra.s32 s8, $0x17;
	s8 =	sshra.s32 s9, $0x17;
	v8 =	vadd.f32 $1.000000000e+00, v5;
	(erf) = vrcp.f32 v6;
	v3 =	vpop (erf)  }
0x9f: {  	s20 =	sshra.s32 s1, $0x1F;
	s9 =	sshra.s32 s19, $0x1F;
	s11 =	sshra.s32 s29, $0x1F;
	v6 =	vadd.f32 $1.000000000e+00, v3;
	(erf) = vrcp.f32 v7;
	v3 =	vpop (erf)  }
0xa0: {  	s19 =	sadd.s32 s12, s17;
	s29 =	sadd.s32 s2, s9;
	s1 =	sshra.s32 s4, $0x17;
	v3 =	vadd.f32 $1.000000000e+00, v3;
	(erf) = vrcp.f32 v8;
	v4 =	vpop (erf)  }
0xa1: {  	s6 =	sadd.s32 $0x80, s6;
	s2 =	sshra.s32 s7, $0x17;
	s4 =	sadd.s32 s18, s20;
	v4 =	vadd.f32 $1.000000000e+00, v4;
	v5 =	vpop (erf);
	(erf) = vrcp.f32 v6  }
0xa2: {  	s6 =	sadd.s32 s8, s11;
	s7 =	sshra.s32 s22, $0x1F  }
0xa3: {  	v5 =	vadd.f32 $1.000000000e+00, v5;
	(erf) = vrcp.f32 v3;
	s0 =	sshra.s32 s0, $0x1F;
	s19 =	sshll.u32 s19, $0x7;
	s9 =	sshll.u32 s29, $0x7  }
0xa4: {  	s20 =	sshll.u32 s4, $0x7;
	(erf) = vrcp.f32 v4;
	s1 =	sadd.s32 s1, s7;
	s0 =	sadd.s32 s2, s0  }
0xa5: {  	s21 =	sshll.u32 s6, $0x7;
	s22 =	ssub.s32 s5, s19;
	s23 =	ssub.s32 s5, s9;
	(erf) = vrcp.f32 v5  }
0xa6: {  	s8 =	sadd.s32 s19, s3;
	s9 =	sadd.s32 s9, s3;
	s1 =	sshll.u32 s1, $0x7  }
0xa7: {  	s0 =	sshll.u32 s0, $0x7;
	s6 =	sadd.s32 s16, s22;
	s7 =	sadd.s32 s16, s23  }
0xa8: {  	s26 =	ssub.s32 s15, s1;
	s12 =	ssub.s32 s15, s0;
	s6 =	sadd.s32 $0x50, s6;
	v3 =	vpop (erf)  }
0xa9: {  	s7 =	sadd.s32 $0x60, s7;
	s1 =	sadd.s32 s1, s3;
	s6 =	sand.u32 $0xFFFFFF80, s6;
	v4 =	vpop (erf)  }
0xaa: {  	s11 =	sadd.s32 $0xB0, s26;
	s7 =	sand.u32 $0xFFFFFF80, s7;
	s6 =	sadd.s32 s6, s8;
	v5 =	vpop (erf)  }
0xab: {  	s12 =	sadd.s32 $0xC0, s12;
	s11 =	sand.u32 $0xFFFFFF80, s11;
	s7 =	sadd.s32 s7, s9;
	[tilespmem:s6+$0x10] =	vst v3;
	v6 =	vpop (erf)  }
0xac: {  	s0 =	sadd.s32 s0, s3;
	s28 =	sand.u32 $0xFFFFFF80, s12;
	s1 =	sadd.s32 s11, s1;
	[tilespmem:s7+$0x20] =	vst v4;
	v7 =	vpop (erf)  }
0xad: {  	s10 =	ssub.s32 s5, s20;
	s0 =	sadd.s32 s28, s0;
	[tilespmem:s1+$0x30] =	vst v5;
	v8 =	vpop (erf)  }
0xae: {  	s2 =	sadd.s32 s20, s3;
	s24 =	ssub.s32 s5, s21;
	s10 =	sadd.s32 s16, s10;
	[tilespmem:s0+$0x40] =	vst v6;
	v9 =	vpop (erf)  }
0xaf: {  	s30 =	sadd.s32 s21, s3;
	s5 =	sadd.s32 s16, s24;
	s10 =	sadd.s32 $0x90, s10;
	[tilespmem:s14+$0x0] =	vst v9  }
0xb0: {  	s5 =	sadd.s32 $0xA0, s5;
	s29 =	sand.u32 $0xFFFFFF80, s10;
	s0 =	rddreg [dreg:$0xb]  }
0xb1: {  	s5 =	sand.u32 $0xFFFFFF80, s5;
	s2 =	sadd.s32 s29, s2;
	s31 =	rddreg [dreg:$0x10]  }
0xb2: {  	s8 =	simm.s32 $0x14180;
	s1 =	sadd.s32 s5, s30;
	[tilespmem:s2+$0x50] =	vst v7;
	s0 =	sor.u32 s31, s0  }
0xb3: {  	s6 =	simm.s32 $0x200;
	s5 =	rddreg [dreg:$0x3];
	[tilespmem:s1+$0x60] =	vst v8;
	s0 =	sshrl.u32 s0, $0x3  }
0xb4: {  	s7 =	simm.s32 $0x4000;
	s9 =	rddreg [dreg:$0xa];
	s0 =	sadd.s32 s5, s0  }
0xb5: {  	[hbm4b:s0+s6] =	stream.strided.scatter [tilespmem:s8], [sflag:$0x5], $0x5000, s7, s6, $0x38;
	[tilespmem:$0x1E180] =	vst v63  }
0xb6: {  	s13 =	simm.s32 $0x180;
	s0 =	sadd.s32 s9, s31  }
0xb7: {  	s10 =	rddreg [dreg:$0x0];
	s12 =	simm.s32 $0x20000;
	s0 =	sshrl.u32 s0, $0x3  }
0xb8: {  	s11 =	simm.s32 $0x1000;
	s14 =	rddreg [dreg:$0x1];
	s1 =	sadd.s32 s10, s0  }
0xb9: {  	[tilespmem:s13], [sflag:$0x1] =	stream.strided.gather [hbm4b:s1+s11], $0x5000, s12, s11, $0x38;
	[tilespmem:$0x1E180] =	vst v63  }
0xba: {  	s15 =	simm.s32 $0xA180;
	s16 =	simm.s32 $0x2;
	s0 =	sadd.s32 s14, s0  }
0xbb: {  	[tilespmem:s15], [sflag:$0x3] =	stream.strided.gather [hbm4b:s0+s11], $0x5000, s12, s11, $0x38;
	[tilespmem:$0x1E180] =	vst v63  }
0xbc: {  	_ =	swait.ge [sflag:s16], $0x5000  }
0xbd: {  	[sflag:s16] =	ssyncset.done $0x0  }
0xbe: {  	s17 =	simm.s32 $0x4;
	s18 =	simm.s32 $0x0;
	[sflag:s16] =	ssyncadd.s32 $0xFFFFB000  }
0xbf: {  	s9 =	simm.s32 $0x0;
	s0 =	sand.u32 $0xFFFFF000, s18;
	_ =	swait.ge [sflag:s17], $0x5000  }
0xc0: {  	s21 =	sand.u32 $0x7000, s9;
	s19 =	ssub.s32 $0x0, s0;
	[sflag:s17] =	ssyncset.done $0x0  }
0xc1: {  	s1 =	simm.s32 @p1 $0x6;
	s20 =	sadd.s32 $0x380, s19;
	[sflag:s17] =	ssyncadd.s32 $0xFFFFB000  }
0xc2: {  	s10 =	simm.s32 $0x0;
	s3 =	sand.u32 $0xFFFFFC00, s20;
	_ =	swait.ge @p1 [sflag:s1], $0x5000  }
0xc3: {  	s22 =	sand.u32 $0x380, s10;
	s3 =	sadd.s32 s21, s3;
	[sflag:s1] =	ssyncset.done @p1 $0x0  }
0xc4: {  	s23 =	sor.u32 s22, s3;
	[sflag:s1] =	ssyncadd.s32 @p1 $0xFFFFB000  }
0xc5: {  	v3 =	vld [tilespmem:s23+$0xF1F0];
	_ =	sdelay $0x2  }
0xc6: {  	s26 =	simm.s32 $0x0;
	s24 =	sadd.s32 $0x80, s19  }
0xc7: {  	s6 =	sand.u32 $0x380, s26;
	s28 =	sand.u32 $0xFFFFF000, s10;
	s3 =	sand.u32 $0xFFFFFC00, s24  }
0xc8: {  	s29 =	sadd.s32 $0x100, s19;
	s30 =	sadd.s32 $0x180, s19;
	s3 =	sadd.s32 s21, s3  }
0xc9: {  	s13 =	sadd.s32 $0x280, s19;
	s8 =	sand.u32 $0xFFFFFC00, s29;
	s3 =	sor.u32 s22, s3;
	v5 =	vld [tilespmem:s23+$0x51F0]  }
0xca: {  	s2 =	sadd.s32 $0x300, s19;
	s11 =	sand.u32 $0xFFFFFC00, s30;
	s8 =	sadd.s32 s21, s8;
	v4 =	vld [tilespmem:s3+$0xF190]  }
0xcb: {  	s15 =	sand.u32 $0xFFFFFC00, s13;
	s11 =	sadd.s32 s21, s11;
	s8 =	sor.u32 s22, s8;
	v3 =	vld.idx.msk [tilespmem:v3+s25+$0x0], $0xffff  }
0xcc: {  	s2 =	sand.u32 $0xFFFFFC00, s2;
	s12 =	sadd.s32 s21, s15;
	s11 =	sor.u32 s22, s11;
	v6 =	vld [tilespmem:s8+$0xF1A0]  }
0xcd: {  	s7 =	sadd.s32 $0x0, s28;
	s2 =	sadd.s32 s21, s2;
	s16 =	sor.u32 s22, s12;
	v7 =	vld [tilespmem:s11+$0xF1B0]  }
0xce: {  	s6 =	sadd.s32 s6, s7;
	s2 =	sor.u32 s22, s2;
	v61 =	vld [tilespmem:s16+$0xF1D0];
	v5 =	vmul.f32 v5, v2  }
0xcf: {  	s0 =	ssub.s32 s6, s0;
	v10 =	vld [tilespmem:s2+$0xF1E0]  }
0xd0: {  	v11 =	vld [tilespmem:s0+$0xF180];
	v3 =	vadd.f32 v3, v5  }
0xd1: {  	s31 =	sadd.s32 $0x200, s19;
	v12 =	vld [tilespmem:s8+$0x51A0]  }
0xd2: {  	s14 =	sand.u32 $0xFFFFFC00, s31;
	v13 =	vld [tilespmem:s11+$0x51B0];
	v3 =	vmul.f32 $1.442695020e+00, v3  }
0xd3: {  	s1 =	sadd.s32 s21, s14;
	v15 =	vld [tilespmem:s2+$0x51E0]  }
0xd4: {  	s1 =	sor.u32 s22, s1;
	v16 =	vld [tilespmem:s0+$0x5180];
	(erf) = vpow2.f32 v3  }
0xd5: {  	v60 =	vld [tilespmem:s1+$0xF1C0]  }
0xd6: {  	v5 =	vld [tilespmem:s3+$0x5190]  }
0xd7: {  	v4 =	vld.idx.msk [tilespmem:v4+s25+$0x0], $0xffff  }
0xd8: {  	v6 =	vld.idx.msk [tilespmem:v6+s25+$0x0], $0xffff  }
0xd9: {  	s17 =	sand.u32 $0xFFFFFE00, s10;
	v14 =	vld [tilespmem:s1+$0x51C0]  }
0xda: {  	s5 =	simm.s32 $0xFFFFFF80;
	s13 =	simm.s32 $0x19180;
	s14 =	ssub.s32 $0x40, s17;
	v7 =	vld.idx.msk [tilespmem:v7+s25+$0x0], $0xffff  }
0xdb: {  	s15 =	simm.s32 $0x0;
	s21 =	ssub.s32 $0x0, s17;
	s18 =	sadd.s32 $0xFFFFFF80, s14;
	v12 =	vmul.f32 v12, v2;
	v10 =	vld.idx.msk [tilespmem:v10+s25+$0x0], $0xffff;
	v5 =	vmul.f32 v5, v2  }
0xdc: {  	s6 =	sadd.s32 $0x10, s21;
	s4 =	sadd.s32 $0x20, s21;
	s2 =	sadd.s32 $0x50, s21;
	v3 =	vld [tilespmem:s16+$0x51D0]  }
0xdd: {  	s19 =	sadd.s32 $0xB0, s18;
	s1 =	sadd.s32 $0x60, s21;
	s26 =	sshll.u32 s6, $0x10;
	v8 =	vld.idx.msk [tilespmem:v60+s25+$0x0], $0xffff;
	v6 =	vadd.f32 v6, v12;
	v4 =	vadd.f32 v4, v5;
	v17 =	vpop (erf)  }
0xde: {  	s28 =	sshll.u32 s4, $0x10;
	s21 =	sadd.s32 $0x70, s18;
	s20 =	sshll.u32 s19, $0x10;
	v13 =	vmul.f32 v13, v2;
	v14 =	vmul.f32 v14, v2;
	v9 =	vld.idx.msk [tilespmem:v61+s25+$0x0], $0xffff;
	v62 =	vadd.f32 $1.000000000e+00, v17  }
0xdf: {  	s0 =	sadd.s32 $0x80, s18;
	s12 =	sshll.u32 s2, $0x10;
	s22 =	sshra.s32 s20, $0x1F;
	v11 =	vld.idx.msk [tilespmem:v11+s25+$0x0], $0xffff;
	v6 =	vmul.f32 $1.442695020e+00, v6;
	v4 =	vmul.f32 $1.442695020e+00, v4  }
0xe0: {  	s29 =	sshra.s32 s26, $0x1F;
	s30 =	sshra.s32 s28, $0x1F;
	s23 =	sand.u32 $0x7F, s22;
	v5 =	vmul.f32 v15, v2;
	(erf) = vrcp.f32 v62  }
0xe1: {  	s26 =	sshll.u32 s21, $0x10;
	s28 =	sshll.u32 s0, $0x10;
	s24 =	sadd.s32 s23, s19;
	v7 =	vadd.f32 v7, v13;
	v3 =	vmul.f32 v3, v2;
	(erf) = vpow2.f32 v4  }
0xe2: {  	s18 =	sand.u32 $0x7F, s30;
	s20 =	sand.u32 $0x7E00, s9;
	v63 =	vmul.f32 v16, v2;
	s7 =	sshll.u32 s24, $0x10;
	v8 =	vadd.f32 v8, v14;
	v5 =	vadd.f32 v10, v5  }
0xe3: {  	s24 =	sshll.u32 s1, $0x10;
	s7 =	sshra.s32 s7, $0x17;
	s3 =	sshra.s32 s19, $0x1F;
	v7 =	vmul.f32 $1.442695020e+00, v7;
	v3 =	vadd.f32 v9, v3;
	(erf) = vpow2.f32 v6  }
0xe4: {  	s30 =	sshra.s32 s24, $0x1F;
	s3 =	sadd.s32 s7, s3;
	s7 =	sadd.s32 s18, s4;
	v5 =	vmul.f32 $1.442695020e+00, v5;
	v4 =	vmul.f32 $1.442695020e+00, v8;
	v6 =	vadd.f32 v11, v63  }
0xe5: {  	s4 =	sshra.s32 s4, $0x1F;
	s31 =	sshll.u32 s3, $0x7;
	s3 =	sadd.s32 $0x19180, s20;
	v3 =	vmul.f32 $1.442695020e+00, v3;
	(erf) = vpow2.f32 v7  }
0xe6: {  	s7 =	sshll.u32 s7, $0x10;
	s19 =	ssub.s32 $0xFFFFFF80, s31;
	s11 =	sadd.s32 s31, s3;
	(erf) = vpow2.f32 v4;
	v4 =	vmul.f32 $1.442695020e+00, v6  }
0xe7: {  	s7 =	sshra.s32 s7, $0x17;
	s31 =	sshra.s32 s2, $0x1F;
	s8 =	sadd.s32 s14, s19;
	(erf) = vpow2.f32 v3  }
0xe8: {  	s16 =	ssub.s32 $0xFFFFFF80, s17;
	s17 =	sand.u32 $0x7F, s29;
	s8 =	sadd.s32 $0xB0, s8;
	(erf) = vpow2.f32 v5  }
0xe9: {  	s29 =	sshra.s32 s12, $0x1F;
	s17 =	sadd.s32 s17, s6;
	s8 =	sand.u32 $0xFFFFFF80, s8;
	(erf) = vpow2.f32 v4;
	v3 =	vpop (erf)  }
0xea: {  	s6 =	sshra.s32 s6, $0x1F;
	s22 =	sshll.u32 s17, $0x10;
	s8 =	sadd.s32 s8, s11;
	v4 =	vpop (erf)  }
0xeb: {  	s23 =	sshra.s32 s22, $0x17;
	s22 =	sadd.s32 s7, s4;
	s4 =	sshra.s32 s28, $0x1F;
	v4 =	vadd.f32 $1.000000000e+00, v4  }
0xec: {  	s7 =	sand.u32 $0x7F, s29;
	s11 =	sand.u32 $0x7F, s30;
	s19 =	sadd.s32 s23, s6;
	v5 =	vpop (erf)  }
0xed: {  	s6 =	sshra.s32 s26, $0x1F;
	s4 =	sand.u32 $0x7F, s4;
	s7 =	sadd.s32 s7, s2;
	v5 =	vadd.f32 $1.000000000e+00, v5  }
0xee: {  	s11 =	sadd.s32 s11, s1;
	s26 =	sshra.s32 s1, $0x1F;
	s6 =	sand.u32 $0x7F, s6;
	v6 =	vpop (erf)  }
0xef: {  	s4 =	sadd.s32 s4, s0;
	s7 =	sshll.u32 s7, $0x10;
	s11 =	sshll.u32 s11, $0x10;
	v6 =	vadd.f32 $1.000000000e+00, v6;
	(erf) = vrcp.f32 v4;
	v4 =	vpop (erf)  }
0xf0: {  	s6 =	sadd.s32 s6, s21;
	s4 =	sshll.u32 s4, $0x10;
	s7 =	sshra.s32 s7, $0x17;
	(erf) = vrcp.f32 v5;
	v7 =	vadd.f32 $1.000000000e+00, v4;
	v4 =	vpop (erf)  }
0xf1: {  	s11 =	sshra.s32 s11, $0x17;
	s6 =	sshll.u32 s6, $0x10;
	s2 =	sshra.s32 s4, $0x17;
	(erf) = vrcp.f32 v6;
	v5 =	vpop (erf)  }
0xf2: {  	s4 =	sadd.s32 s7, s31;
	s1 =	sshra.s32 s6, $0x17;
	s6 =	simm.s32 $0x80;
	[tilespmem:s8+$0x70] =	vst v3;
	v3 =	vadd.f32 $1.000000000e+00, v4;
	v4 =	vadd.f32 $1.000000000e+00, v5;
	v5 =	vpop (erf);
	(erf) = vrcp.f32 v7  }
.LBB2_5:
0xf3: {  	s7 =	sshll.u32 s6, $0x3  }
0xf4: {  	s12 =	sand.u32 $0xFFFFF000, s6;
	s17 =	sshrl.u32 s6, $0x2;
	v5 =	vadd.f32 $1.000000000e+00, v5;
	(erf) = vrcp.f32 v3;
	s20 =	smov.u32 s9  }
0xf5: {  	s10 =	sadd.s32 $0x400, s10;
	s8 =	sand.u32 $0xFFFFF000, s7;
	s7 =	sand.u32 $0x380, s17;
	(erf) = vrcp.f32 v4  }
0xf6: {  	s26 =	sadd.s32 s11, s26;
	s12 =	sadd.s32 s12, s10;
	s17 =	ssub.s32 s10, s8;
	(erf) = vrcp.f32 v5  }
0xf7: {  	s9 =	sadd.s32 $0x80, s9;
	s11 =	sadd.s32 $0x80, s17;
	s18 =	sadd.s32 $0x380, s17  }
0xf8: {  	s15 =	sadd.s32 $0x20, s15;
	s23 =	sand.u32 $0x7000, s9;
	s18 =	sand.u32 $0xFFFFFC00, s18  }
0xf9: {  	s24 =	sand.u32 $0x380, s15;
	s28 =	sadd.s32 $0x100, s17;
	s18 =	sadd.s32 s23, s18;
	v4 =	vpop (erf)  }
0xfa: {  	s29 =	sadd.s32 $0x180, s17;
	s30 =	sadd.s32 $0x200, s17;
	s18 =	sor.u32 s24, s18;
	v5 =	vpop (erf)  }
0xfb: {  	s31 =	sadd.s32 $0x280, s17;
	s17 =	sadd.s32 $0x300, s17;
	s11 =	sand.u32 $0xFFFFFC00, s11;
	v6 =	vld [tilespmem:s18+$0xF1F0];
	v7 =	vpop (erf)  }
0xfc: {  	s28 =	sand.u32 $0xFFFFFC00, s28;
	s29 =	sand.u32 $0xFFFFFC00, s29;
	s30 =	sand.u32 $0xFFFFFC00, s30;
	v8 =	vpop (erf)  }
0xfd: {  	s31 =	sand.u32 $0xFFFFFC00, s31;
	s17 =	sand.u32 $0xFFFFFC00, s17;
	s11 =	sadd.s32 s23, s11;
	v9 =	vpop (erf)  }
0xfe: {  	s28 =	sadd.s32 s23, s28;
	s29 =	sadd.s32 s23, s29;
	s30 =	sadd.s32 s23, s30;
	v3 =	vpop (erf)  }
0xff: {  	s7 =	sadd.s32 s7, s12;
	s12 =	sadd.s32 s23, s31;
	s17 =	sadd.s32 s23, s17;
	v10 =	vpop (erf)  }
0x100: {  	s23 =	sor.u32 s24, s11;
	s31 =	sor.u32 s24, s28;
	s29 =	sor.u32 s24, s29;
	[tilespmem:s13+$0x0] =	vst v10  }
0x101: {  	s30 =	sor.u32 s24, s30;
	s28 =	sor.u32 s24, s12;
	s11 =	sor.u32 s24, s17;
	v10 =	vld [tilespmem:s23+$0xF190]  }
0x102: {  	s0 =	sshra.s32 s0, $0x1F;
	s8 =	ssub.s32 s7, s8;
	s7 =	sshra.s32 s21, $0x1F;
	v11 =	vld [tilespmem:s18+$0x51F0]  }
0x103: {  	s1 =	sadd.s32 s1, s7;
	s12 =	sshll.u32 s19, $0x7;
	s17 =	sshll.u32 s22, $0x7;
	v6 =	vld.idx.msk [tilespmem:v6+s25+$0x0], $0xffff  }
0x104: {  	s0 =	sadd.s32 s2, s0;
	s2 =	sshll.u32 s4, $0x7;
	s4 =	sshll.u32 s26, $0x7;
	v12 =	vld [tilespmem:s31+$0xF1A0]  }
0x105: {  	s1 =	sshll.u32 s1, $0x7;
	s7 =	ssub.s32 s5, s12;
	s18 =	ssub.s32 s5, s17;
	v13 =	vld [tilespmem:s29+$0xF1B0]  }
0x106: {  	s0 =	sshll.u32 s0, $0x7;
	s19 =	ssub.s32 s5, s2;
	s5 =	ssub.s32 s5, s4;
	v14 =	vld [tilespmem:s30+$0xF1C0]  }
0x107: {  	s21 =	ssub.s32 s16, s1;
	s7 =	sadd.s32 s14, s7;
	s18 =	sadd.s32 s14, s18;
	v15 =	vld [tilespmem:s28+$0xF1D0];
	v11 =	vmul.f32 v11, v2  }
0x108: {  	s16 =	ssub.s32 s16, s0;
	s19 =	sadd.s32 s14, s19;
	s5 =	sadd.s32 s14, s5;
	v16 =	vld [tilespmem:s11+$0xF1E0]  }
0x109: {  	s7 =	sadd.s32 $0x50, s7;
	s14 =	sadd.s32 $0x60, s18;
	s18 =	sadd.s32 $0xB0, s21;
	v17 =	vld [tilespmem:s8+$0xF180];
	v6 =	vadd.f32 v6, v11  }
0x10a: {  	s16 =	sadd.s32 $0xC0, s16;
	s19 =	sadd.s32 $0x90, s19;
	s5 =	sadd.s32 $0xA0, s5;
	v11 =	vld [tilespmem:s23+$0x5190]  }
0x10b: {  	s7 =	sand.u32 $0xFFFFFF80, s7;
	s14 =	sand.u32 $0xFFFFFF80, s14;
	s18 =	sand.u32 $0xFFFFFF80, s18;
	v18 =	vld [tilespmem:s31+$0x51A0];
	v6 =	vmul.f32 $1.442695020e+00, v6  }
0x10c: {  	s16 =	sand.u32 $0xFFFFFF80, s16;
	s19 =	sand.u32 $0xFFFFFF80, s19;
	s5 =	sand.u32 $0xFFFFFF80, s5;
	v19 =	vld [tilespmem:s29+$0x51B0]  }
0x10d: {  	s1 =	sadd.s32 s1, s3;
	s0 =	sadd.s32 s0, s3;
	s12 =	sadd.s32 s12, s3;
	v20 =	vld [tilespmem:s30+$0x51C0];
	(erf) = vpow2.f32 v6  }
0x10e: {  	s2 =	sadd.s32 s2, s3;
	s17 =	sadd.s32 s17, s3;
	s3 =	sadd.s32 s4, s3;
	v6 =	vld [tilespmem:s28+$0x51D0]  }
0x10f: {  	s4 =	sadd.s32 s7, s12;
	s7 =	sadd.s32 s14, s17;
	s1 =	sadd.s32 s18, s1;
	v11 =	vmul.f32 v11, v2;
	v21 =	vld [tilespmem:s11+$0x51E0]  }
0x110: {  	s0 =	sadd.s32 s16, s0;
	s2 =	sadd.s32 s19, s2;
	s3 =	sadd.s32 s5, s3;
	v22 =	vld [tilespmem:s8+$0x5180];
	v18 =	vmul.f32 v18, v2;
	[tilespmem:s4+$0x10] =	vst v4  }
0x111: {  	p1 =	slt.u32 s9, $0x4F80;
	s5 =	smov.u32 s20;
	v4 =	vld.idx.msk [tilespmem:v10+s25+$0x0], $0xffff;
	v10 =	vmul.f32 v19, v2;
	[tilespmem:s7+$0x20] =	vst v5  }
0x112: {  	s13 =	sadd.s32 $0x80, s13;
	s18 =	sand.u32 $0x7E00, s9;
	s4 =	sand.u32 $0xFFFFFE00, s6;
	v5 =	vld.idx.msk [tilespmem:v12+s25+$0x0], $0xffff;
	v12 =	vmul.f32 v20, v2;
	[tilespmem:s1+$0x30] =	vst v7  }
0x113: {  	s14 =	ssub.s32 $0x40, s4;
	s7 =	ssub.s32 s9, s4;
	s16 =	ssub.s32 s5, s4;
	v7 =	vld.idx.msk [tilespmem:v13+s25+$0x0], $0xffff;
	v6 =	vmul.f32 v6, v2;
	[tilespmem:s0+$0x40] =	vst v8  }
0x114: {  	s20 =	sadd.s32 $0x10, s7;
	s19 =	sadd.s32 $0x20, s7;
	s0 =	sadd.s32 s14, s5;
	v8 =	vld.idx.msk [tilespmem:v14+s25+$0x0], $0xffff;
	v13 =	vmul.f32 v21, v2;
	[tilespmem:s2+$0x50] =	vst v9  }
0x115: {  	s1 =	sadd.s32 $0x50, s7;
	s22 =	sadd.s32 $0x60, s7;
	s2 =	sadd.s32 $0xB0, s0;
	v9 =	vmul.f32 v22, v2;
	v14 =	vld.idx.msk [tilespmem:v15+s25+$0x0], $0xffff;
	[tilespmem:s3+$0x60] =	vst v3  }
0x116: {  	s4 =	sshll.u32 s19, $0x10;
	s3 =	sshll.u32 s20, $0x10;
	s7 =	sshll.u32 s2, $0x10;
	v3 =	vld.idx.msk [tilespmem:v16+s25+$0x0], $0xffff;
	v15 =	vpop (erf)  }
0x117: {  	s21 =	sadd.s32 $0x70, s0;
	s0 =	sadd.s32 $0x80, s0;
	v4 =	vadd.f32 v4, v11;
	s7 =	sshra.s32 s7, $0x1F;
	v16 =	vld.idx.msk [tilespmem:v17+s25+$0x0], $0xffff;
	v11 =	vadd.f32 $1.000000000e+00, v15  }
0x118: {  	s8 =	sshll.u32 s1, $0x10;
	s11 =	sshll.u32 s22, $0x10;
	v5 =	vadd.f32 v5, v18;
	s7 =	sand.u32 $0x7F, s7  }
0x119: {  	s4 =	sshra.s32 s4, $0x1F;
	s3 =	sshra.s32 s3, $0x1F;
	v4 =	vmul.f32 $1.442695020e+00, v4;
	v7 =	vadd.f32 v7, v10;
	s7 =	sadd.s32 s7, s2;
	(erf) = vrcp.f32 v11  }
0x11a: {  	s12 =	sshll.u32 s21, $0x10;
	s17 =	sshll.u32 s0, $0x10;
	v5 =	vmul.f32 $1.442695020e+00, v5;
	v8 =	vadd.f32 v8, v12;
	s7 =	sshll.u32 s7, $0x10  }
0x11b: {  	s8 =	sshra.s32 s8, $0x1F;
	s2 =	sshra.s32 s2, $0x1F;
	v7 =	vmul.f32 $1.442695020e+00, v7;
	v6 =	vadd.f32 v14, v6;
	s7 =	sshra.s32 s7, $0x17;
	(erf) = vpow2.f32 v4  }
0x11c: {  	s11 =	sshra.s32 s11, $0x1F;
	s3 =	sand.u32 $0x7F, s3;
	v4 =	vmul.f32 $1.442695020e+00, v8;
	v3 =	vadd.f32 v3, v13;
	s2 =	sadd.s32 s7, s2;
	(erf) = vpow2.f32 v5  }
0x11d: {  	s4 =	sand.u32 $0x7F, s4;
	s7 =	sshra.s32 s12, $0x1F;
	v5 =	vadd.f32 v16, v9;
	v6 =	vmul.f32 $1.442695020e+00, v6;
	s2 =	sshll.u32 s2, $0x7;
	(erf) = vpow2.f32 v7  }
0x11e: {  	s8 =	sand.u32 $0x7F, s8;
	s12 =	sshra.s32 s17, $0x1F;
	v3 =	vmul.f32 $1.442695020e+00, v3;
	s17 =	ssub.s32 s5, s2;
	(erf) = vpow2.f32 v4  }
0x11f: {  	s11 =	sand.u32 $0x7F, s11;
	s4 =	sadd.s32 s4, s19;
	v4 =	vmul.f32 $1.442695020e+00, v5;
	s17 =	sadd.s32 s14, s17;
	(erf) = vpow2.f32 v6  }
0x120: {  	s23 =	sadd.s32 s3, s20;
	s3 =	sadd.s32 $0x19180, s18;
	s17 =	sadd.s32 $0xB0, s17;
	(erf) = vpow2.f32 v3  }
0x121: {  	s8 =	sadd.s32 s8, s1;
	s2 =	sadd.s32 s2, s3;
	s17 =	sand.u32 $0xFFFFFF80, s17;
	(erf) = vpow2.f32 v4  }
0x122: {  	s7 =	sand.u32 $0x7F, s7;
	s12 =	sand.u32 $0x7F, s12;
	s2 =	sadd.s32 s17, s2;
	v3 =	vpop (erf)  }
0x123: {  	s11 =	sadd.s32 s11, s22;
	s8 =	sshll.u32 s8, $0x10;
	s17 =	sshll.u32 s23, $0x10;
	[tilespmem:s2+$0x70] =	vst v3  }
0x124: {  	s2 =	sshll.u32 s4, $0x10;
	s4 =	sadd.s32 s7, s21;
	s7 =	sadd.s32 s12, s0;
	v3 =	vpop (erf)  }
0x125: {  	s11 =	sshll.u32 s11, $0x10;
	s12 =	sshra.s32 s17, $0x17;
	s2 =	sshra.s32 s2, $0x17;
	v6 =	vadd.f32 $1.000000000e+00, v3;
	v4 =	vpop (erf)  }
.Ltmp1:
0x126: {  	s4 =	sshll.u32 s4, $0x10;
	s7 =	sshll.u32 s7, $0x10;
	v7 =	vadd.f32 $1.000000000e+00, v4;
	v5 =	vpop (erf);
	(pc) =	sbr.rel @p1 .LBB2_5-.Ltmp1, $4  }
0x127: {  	s8 =	sshra.s32 s8, $0x17;
	s11 =	sshra.s32 s11, $0x17;
	s17 =	sshra.s32 s20, $0x1F;
	v8 =	vadd.f32 $1.000000000e+00, v5;
	(erf) = vrcp.f32 v6;
	v3 =	vpop (erf)  }
0x128: {  	s26 =	sshra.s32 s22, $0x1F;
	s18 =	sshra.s32 s19, $0x1F;
	s20 =	sshra.s32 s1, $0x1F;
	v6 =	vadd.f32 $1.000000000e+00, v3;
	(erf) = vrcp.f32 v7;
	v3 =	vpop (erf)  }
0x129: {  	s19 =	sadd.s32 s12, s17;
	s22 =	sadd.s32 s2, s18;
	s1 =	sshra.s32 s4, $0x17;
	v3 =	vadd.f32 $1.000000000e+00, v3;
	(erf) = vrcp.f32 v8;
	v4 =	vpop (erf)  }
0x12a: {  	s6 =	sadd.s32 $0x80, s6;
	s2 =	sshra.s32 s7, $0x17;
	s4 =	sadd.s32 s8, s20;
	v4 =	vadd.f32 $1.000000000e+00, v4;
	v5 =	vpop (erf);
	(erf) = vrcp.f32 v6  }
0x12b: {  	s6 =	sadd.s32 s11, s26  }
0x12c: {  	v5 =	vadd.f32 $1.000000000e+00, v5;
	(erf) = vrcp.f32 v3;
	s7 =	sshra.s32 s21, $0x1F;
	s0 =	sshra.s32 s0, $0x1F;
	s8 =	sshll.u32 s19, $0x7  }
0x12d: {  	s9 =	sshll.u32 s22, $0x7;
	(erf) = vrcp.f32 v4;
	s1 =	sadd.s32 s1, s7;
	s0 =	sadd.s32 s2, s0  }
0x12e: {  	s17 =	sshll.u32 s6, $0x7;
	s18 =	ssub.s32 s5, s8;
	s19 =	ssub.s32 s5, s9;
	(erf) = vrcp.f32 v5  }
0x12f: {  	s8 =	sadd.s32 s8, s3;
	s9 =	sadd.s32 s9, s3;
	s1 =	sshll.u32 s1, $0x7  }
0x130: {  	s0 =	sshll.u32 s0, $0x7;
	s6 =	sadd.s32 s14, s18;
	s7 =	sadd.s32 s14, s19  }
0x131: {  	s21 =	ssub.s32 s16, s1;
	s12 =	ssub.s32 s16, s0;
	s6 =	sadd.s32 $0x50, s6;
	v3 =	vpop (erf)  }
0x132: {  	s7 =	sadd.s32 $0x60, s7;
	s1 =	sadd.s32 s1, s3;
	s6 =	sand.u32 $0xFFFFFF80, s6;
	v62 =	vpop (erf)  }
0x133: {  	s11 =	sadd.s32 $0xB0, s21;
	s7 =	sand.u32 $0xFFFFFF80, s7;
	s6 =	sadd.s32 s6, s8;
	v63 =	vpop (erf)  }
0x134: {  	s12 =	sadd.s32 $0xC0, s12;
	s11 =	sand.u32 $0xFFFFFF80, s11;
	s7 =	sadd.s32 s7, s9;
	[tilespmem:s6+$0x10] =	vst v3;
	v6 =	vpop (erf)  }
0x135: {  	s0 =	sadd.s32 s0, s3;
	s22 =	sand.u32 $0xFFFFFF80, s12;
	s1 =	sadd.s32 s11, s1;
	[tilespmem:s7+$0x20] =	vst v62;
	v7 =	vpop (erf)  }
0x136: {  	s15 =	sshll.u32 s4, $0x7;
	s28 =	rddreg [dreg:$0x3];
	s0 =	sadd.s32 s22, s0;
	[tilespmem:s1+$0x30] =	vst v63;
	v8 =	vpop (erf)  }
0x137: {  	s10 =	ssub.s32 s5, s15;
	s2 =	sadd.s32 s15, s3;
	s20 =	ssub.s32 s5, s17;
	[tilespmem:s0+$0x40] =	vst v6;
	v9 =	vpop (erf)  }
0x138: {  	s10 =	sadd.s32 s14, s10;
	s24 =	sadd.s32 s17, s3;
	s5 =	sadd.s32 s14, s20;
	[tilespmem:s13+$0x0] =	vst v9  }
0x139: {  	s10 =	sadd.s32 $0x90, s10;
	s5 =	sadd.s32 $0xA0, s5;
	s0 =	rddreg [dreg:$0xb]  }
0x13a: {  	s23 =	sand.u32 $0xFFFFFF80, s10;
	s5 =	sand.u32 $0xFFFFFF80, s5;
	s26 =	rddreg [dreg:$0xf]  }
.Ltmp2:
0x13b: {  	s2 =	sadd.s32 s23, s2;
	s0 =	sor.u32 s26, s0;
	(pc) =	sbr.rel @p0 .LBB2_2-.Ltmp2, $4  }
0x13c: {  	s29 =	simm.s32 $0x200;
	s1 =	sadd.s32 s5, s24;
	[tilespmem:s2+$0x50] =	vst v7;
	s0 =	sshrl.u32 s0, $0x3  }
0x13d: {  	s30 =	simm.s32 $0x4000;
	s31 =	simm.s32 $0x19180;
	[tilespmem:s1+$0x60] =	vst v8;
	s0 =	sadd.s32 s28, s0  }
0x13e: {  	[hbm4b:s0+s29] =	stream.strided.scatter [tilespmem:s31], [sflag:$0x6], $0x5000, s30, s29, $0x38;
	[tilespmem:$0x1E180] =	vst v63  }
0x13f: {  	p2 =	por $0x0, $0x0;
	p1 =	por $0x1, $0x1;
	s0 =	simm.s32 $0x140000  }
0x140: {  	s0 =	simm.s32 $0x1  }
0x141: {  	_ =	swait.ge [sflag:s0], $0x5000  }
0x142: {  	[sflag:s0] =	ssyncset.done $0x0  }
0x143: {  	s1 =	simm.s32 $0x3;
	s20 =	simm.s32 $0x0;
	[sflag:s0] =	ssyncadd.s32 $0xFFFFB000  }
0x144: {  	s5 =	simm.s32 $0x5;
	s0 =	sand.u32 $0xFFFFF000, s20;
	_ =	swait.ge [sflag:s1], $0x5000  }
0x145: {  	s7 =	simm.s32 $0x0;
	s21 =	ssub.s32 $0x0, s0;
	[sflag:s1] =	ssyncset.done $0x0  }
0x146: {  	s9 =	simm.s32 $0x0;
	s2 =	sadd.s32 $0x380, s21;
	[sflag:s1] =	ssyncadd.s32 $0xFFFFB000  }
0x147: {  	s3 =	sand.u32 $0x7000, s7;
	s2 =	sand.u32 $0xFFFFFC00, s2;
	_ =	swait.ge [sflag:s5], $0x5000  }
0x148: {  	s4 =	sand.u32 $0x380, s9;
	s2 =	sadd.s32 s3, s2;
	[sflag:s5] =	ssyncset.done $0x0  }
0x149: {  	s2 =	sor.u32 s4, s2;
	[sflag:s5] =	ssyncadd.s32 $0xFFFFB000  }
0x14a: {  	v3 =	vld [tilespmem:s2+$0xA1F0];
	_ =	sdelay $0x1  }
0x14b: {  	s6 =	simm.s32 $0x0  }
0x14c: {  	s8 =	sand.u32 $0xFFFFF000, s9;
	s6 =	sand.u32 $0x380, s6;
	s10 =	sadd.s32 $0x100, s21  }
0x14d: {  	s8 =	sadd.s32 $0x0, s8;
	s11 =	sadd.s32 $0x180, s21;
	s10 =	sand.u32 $0xFFFFFC00, s10  }
0x14e: {  	s12 =	sadd.s32 $0x200, s21;
	s13 =	sadd.s32 $0x280, s21;
	s10 =	sadd.s32 s3, s10  }
0x14f: {  	s1 =	sadd.s32 $0x300, s21;
	s11 =	sand.u32 $0xFFFFFC00, s11;
	s10 =	sor.u32 s4, s10;
	v5 =	vld [tilespmem:s2+$0x1F0]  }
0x150: {  	s23 =	sand.u32 $0xFFFFFC00, s12;
	s24 =	sand.u32 $0xFFFFFC00, s13;
	s11 =	sadd.s32 s3, s11;
	v6 =	vld [tilespmem:s10+$0xA1A0]  }
0x151: {  	s1 =	sand.u32 $0xFFFFFC00, s1;
	s12 =	sadd.s32 s3, s24;
	s11 =	sor.u32 s4, s11;
	v3 =	vld.idx.msk [tilespmem:v3+s25+$0x0], $0xffff  }
0x152: {  	s22 =	sadd.s32 $0x80, s21;
	s1 =	sadd.s32 s3, s1;
	s26 =	sor.u32 s4, s12;
	v7 =	vld [tilespmem:s11+$0xA1B0]  }
0x153: {  	s6 =	sadd.s32 s6, s8;
	s5 =	sand.u32 $0xFFFFFC00, s22;
	s1 =	sor.u32 s4, s1;
	v9 =	vld [tilespmem:s26+$0xA1D0]  }
0x154: {  	s0 =	ssub.s32 s6, s0;
	s5 =	sadd.s32 s3, s5;
	v10 =	vld [tilespmem:s1+$0xA1E0];
	v5 =	vmul.f32 v5, v2  }
0x155: {  	v11 =	vld [tilespmem:s0+$0xA180];
	s5 =	sor.u32 s4, s5  }
0x156: {  	v4 =	vld [tilespmem:s5+$0xA190];
	v3 =	vadd.f32 v3, v5  }
0x157: {  	v12 =	vld [tilespmem:s10+$0x1A0]  }
0x158: {  	v13 =	vld [tilespmem:s11+$0x1B0];
	v3 =	vmul.f32 $1.442695020e+00, v3  }
0x159: {  	s2 =	sadd.s32 s3, s23;
	v15 =	vld [tilespmem:s1+$0x1E0]  }
0x15a: {  	v16 =	vld [tilespmem:s0+$0x180];
	s2 =	sor.u32 s4, s2;
	(erf) = vpow2.f32 v3  }
0x15b: {  	v8 =	vld [tilespmem:s2+$0xA1C0]  }
0x15c: {  	v5 =	vld [tilespmem:s5+$0x190]  }
0x15d: {  	v6 =	vld.idx.msk [tilespmem:v6+s25+$0x0], $0xffff  }
0x15e: {  	s28 =	sand.u32 $0xFFFFFE00, s9;
	v4 =	vld.idx.msk [tilespmem:v4+s25+$0x0], $0xffff  }
0x15f: {  	s13 =	ssub.s32 $0x40, s28;
	v14 =	vld [tilespmem:s2+$0x1C0]  }
0x160: {  	s14 =	simm.s32 $0xFFFFFF80;
	s30 =	sadd.s32 $0xFFFFFF80, s13;
	v7 =	vld.idx.msk [tilespmem:v7+s25+$0x0], $0xffff  }
0x161: {  	s29 =	ssub.s32 $0x0, s28;
	s16 =	ssub.s32 $0xFFFFFF80, s28;
	s31 =	sadd.s32 $0xB0, s30;
	v12 =	vmul.f32 v12, v2;
	v10 =	vld.idx.msk [tilespmem:v10+s25+$0x0], $0xffff;
	v5 =	vmul.f32 v5, v2  }
0x162: {  	s15 =	sadd.s32 $0x70, s30;
	s21 =	sadd.s32 $0x80, s30;
	s18 =	sshll.u32 s31, $0x10;
	v3 =	vld [tilespmem:s26+$0x1D0]  }
0x163: {  	s10 =	simm.s32 $0x14180;
	s3 =	sadd.s32 $0x10, s29;
	s0 =	sadd.s32 $0x20, s29;
	v8 =	vld.idx.msk [tilespmem:v8+s25+$0x0], $0xffff;
	v6 =	vadd.f32 v6, v12;
	v4 =	vadd.f32 v4, v5;
	v17 =	vpop (erf)  }
0x164: {  	s1 =	sadd.s32 $0x50, s29;
	s19 =	sshra.s32 s18, $0x1F;
	s18 =	sshll.u32 s21, $0x10;
	v13 =	vmul.f32 v13, v2;
	v14 =	vmul.f32 v14, v2;
	v9 =	vld.idx.msk [tilespmem:v9+s25+$0x0], $0xffff;
	v62 =	vadd.f32 $1.000000000e+00, v17  }
0x165: {  	s12 =	sshll.u32 s3, $0x10;
	s17 =	sshll.u32 s0, $0x10;
	s20 =	sshll.u32 s1, $0x10;
	v11 =	vld.idx.msk [tilespmem:v11+s25+$0x0], $0xffff;
	v6 =	vmul.f32 $1.442695020e+00, v6;
	v4 =	vmul.f32 $1.442695020e+00, v4  }
0x166: {  	s4 =	sand.u32 $0x7F, s19;
	s19 =	sand.u32 $0x7E00, s7;
	s2 =	sadd.s32 $0x60, s29;
	v5 =	vmul.f32 v15, v2;
	(erf) = vrcp.f32 v62  }
0x167: {  	s6 =	sshra.s32 s12, $0x1F;
	s8 =	sshra.s32 s17, $0x1F;
	s4 =	sadd.s32 s4, s31;
	v7 =	vadd.f32 v7, v13;
	v3 =	vmul.f32 v3, v2;
	(erf) = vpow2.f32 v4  }
0x168: {  	s17 =	sshll.u32 s15, $0x10;
	s11 =	sshra.s32 s20, $0x1F;
	s22 =	sshll.u32 s2, $0x10;
	v63 =	vmul.f32 v16, v2;
	v8 =	vadd.f32 v8, v14;
	v5 =	vadd.f32 v10, v5  }
0x169: {  	s4 =	sshll.u32 s4, $0x10;
	s6 =	sand.u32 $0x7F, s6;
	s23 =	sand.u32 $0x7F, s8;
	v7 =	vmul.f32 $1.442695020e+00, v7;
	v3 =	vadd.f32 v9, v3;
	(erf) = vpow2.f32 v6  }
0x16a: {  	s24 =	sshra.s32 s17, $0x1F;
	s11 =	sand.u32 $0x7F, s11;
	s4 =	sshra.s32 s4, $0x17;
	v5 =	vmul.f32 $1.442695020e+00, v5;
	v4 =	vmul.f32 $1.442695020e+00, v8;
	v6 =	vadd.f32 v11, v63  }
0x16b: {  	s12 =	sshra.s32 s22, $0x1F;
	s20 =	sadd.s32 s6, s3;
	s6 =	sadd.s32 $0x14180, s19;
	v3 =	vmul.f32 $1.442695020e+00, v3;
	(erf) = vpow2.f32 v7  }
0x16c: {  	s8 =	sand.u32 $0x7F, s24;
	s11 =	sadd.s32 s11, s1;
	s3 =	sshra.s32 s3, $0x1F;
	(erf) = vpow2.f32 v4;
	v4 =	vmul.f32 $1.442695020e+00, v6  }
0x16d: {  	s12 =	sand.u32 $0x7F, s12;
	s29 =	sshll.u32 s20, $0x10;
	s8 =	sadd.s32 s8, s15;
	(erf) = vpow2.f32 v3  }
0x16e: {  	s11 =	sshll.u32 s11, $0x10;
	s12 =	sadd.s32 s12, s2;
	s30 =	sshll.u32 s8, $0x10;
	(erf) = vpow2.f32 v5  }
0x16f: {  	s22 =	sshra.s32 s11, $0x17;
	s11 =	sshra.s32 s2, $0x1F;
	s5 =	sshra.s32 s31, $0x1F;
	(erf) = vpow2.f32 v4;
	v3 =	vpop (erf)  }
0x170: {  	s12 =	sshll.u32 s12, $0x10;
	s20 =	sshra.s32 s30, $0x17;
	s4 =	sadd.s32 s4, s5;
	v4 =	vpop (erf)  }
0x171: {  	s8 =	sshra.s32 s12, $0x17;
	s31 =	sshra.s32 s1, $0x1F;
	s4 =	sshll.u32 s4, $0x7;
	v4 =	vadd.f32 $1.000000000e+00, v4  }
0x172: {  	s5 =	sadd.s32 s23, s0;
	s0 =	sshra.s32 s0, $0x1F;
	s28 =	ssub.s32 $0xFFFFFF80, s4;
	v5 =	vpop (erf)  }
0x173: {  	s5 =	sshll.u32 s5, $0x10;
	s26 =	sshra.s32 s18, $0x1F;
	s18 =	sadd.s32 s13, s28;
	v5 =	vadd.f32 $1.000000000e+00, v5  }
0x174: {  	s4 =	sadd.s32 s4, s6;
	s5 =	sshra.s32 s5, $0x17;
	s18 =	sadd.s32 $0xB0, s18;
	v6 =	vpop (erf)  }
0x175: {  	s19 =	sadd.s32 s5, s0;
	s17 =	sand.u32 $0x7F, s26;
	s18 =	sand.u32 $0xFFFFFF80, s18;
	v6 =	vadd.f32 $1.000000000e+00, v6;
	(erf) = vrcp.f32 v4;
	v4 =	vpop (erf)  }
0x176: {  	s17 =	sadd.s32 s17, s21;
	s4 =	sadd.s32 s18, s4;
	s18 =	sshra.s32 s29, $0x17;
	(erf) = vrcp.f32 v5;
	v7 =	vadd.f32 $1.000000000e+00, v4;
	v4 =	vpop (erf)  }
0x177: {  	s5 =	simm.s32 $0x0;
	s17 =	sshll.u32 s17, $0x10;
	s1 =	sadd.s32 s18, s3;
	(erf) = vrcp.f32 v6;
	v5 =	vpop (erf)  }
0x178: {  	s2 =	sshra.s32 s17, $0x17;
	s3 =	simm.s32 $0x80;
	[tilespmem:s4+$0x70] =	vst v3;
	s4 =	sadd.s32 s22, s31;
	v3 =	vadd.f32 $1.000000000e+00, v4;
	v4 =	vadd.f32 $1.000000000e+00, v5;
	v5 =	vpop (erf);
	(erf) = vrcp.f32 v7  }
.LBB2_8:
0x179: {  	s12 =	sshll.u32 s3, $0x3  }
0x17a: {  	s17 =	sand.u32 $0xFFFFF000, s3;
	s18 =	sshrl.u32 s3, $0x2;
	v5 =	vadd.f32 $1.000000000e+00, v5;
	(erf) = vrcp.f32 v3;
	s0 =	smov.u32 s7  }
0x17b: {  	s9 =	sadd.s32 $0x400, s9;
	s28 =	sand.u32 $0xFFFFF000, s12;
	s12 =	sand.u32 $0x380, s18;
	(erf) = vrcp.f32 v4  }
0x17c: {  	s22 =	sadd.s32 s8, s11;
	s17 =	sadd.s32 s17, s9;
	s18 =	ssub.s32 s9, s28;
	(erf) = vrcp.f32 v5  }
0x17d: {  	s7 =	sadd.s32 $0x80, s7;
	s8 =	sadd.s32 $0x80, s18;
	s11 =	sadd.s32 $0x380, s18  }
0x17e: {  	s5 =	sadd.s32 $0x20, s5;
	s23 =	sand.u32 $0x7000, s7;
	s11 =	sand.u32 $0xFFFFFC00, s11  }
0x17f: {  	s24 =	sand.u32 $0x380, s5;
	s26 =	sadd.s32 $0x100, s18;
	s11 =	sadd.s32 s23, s11;
	v4 =	vpop (erf)  }
0x180: {  	s29 =	sadd.s32 $0x180, s18;
	s30 =	sadd.s32 $0x200, s18;
	s31 =	sor.u32 s24, s11;
	v5 =	vpop (erf)  }
0x181: {  	s8 =	sand.u32 $0xFFFFFC00, s8;
	s11 =	sadd.s32 $0x280, s18;
	s18 =	sadd.s32 $0x300, s18;
	v6 =	vld [tilespmem:s31+$0xA1F0];
	v7 =	vpop (erf)  }
0x182: {  	s26 =	sand.u32 $0xFFFFFC00, s26;
	s29 =	sand.u32 $0xFFFFFC00, s29;
	s30 =	sand.u32 $0xFFFFFC00, s30;
	v8 =	vpop (erf)  }
0x183: {  	s8 =	sadd.s32 s23, s8;
	s11 =	sand.u32 $0xFFFFFC00, s11;
	s18 =	sand.u32 $0xFFFFFC00, s18;
	v9 =	vpop (erf)  }
0x184: {  	s26 =	sadd.s32 s23, s26;
	s29 =	sadd.s32 s23, s29;
	s30 =	sadd.s32 s23, s30;
	v3 =	vpop (erf)  }
0x185: {  	s12 =	sadd.s32 s12, s17;
	s11 =	sadd.s32 s23, s11;
	s17 =	sadd.s32 s23, s18;
	v10 =	vpop (erf)  }
0x186: {  	s29 =	sor.u32 s24, s29;
	s18 =	sor.u32 s24, s8;
	s23 =	sor.u32 s24, s26;
	[tilespmem:s10+$0x0] =	vst v10  }
0x187: {  	s30 =	sor.u32 s24, s30;
	s26 =	sor.u32 s24, s11;
	s11 =	sor.u32 s24, s17;
	v10 =	vld [tilespmem:s18+$0xA190]  }
0x188: {  	s8 =	ssub.s32 s12, s28;
	s12 =	sshra.s32 s15, $0x1F;
	s15 =	sshra.s32 s21, $0x1F;
	v11 =	vld [tilespmem:s31+$0x1F0]  }
0x189: {  	s1 =	sshll.u32 s1, $0x7;
	s17 =	sshll.u32 s19, $0x7;
	s12 =	sadd.s32 s20, s12;
	v6 =	vld.idx.msk [tilespmem:v6+s25+$0x0], $0xffff  }
0x18a: {  	s4 =	sshll.u32 s4, $0x7;
	s2 =	sadd.s32 s2, s15;
	s15 =	sshll.u32 s22, $0x7;
	v12 =	vld [tilespmem:s23+$0xA1A0]  }
0x18b: {  	s19 =	ssub.s32 s14, s1;
	s20 =	ssub.s32 s14, s17;
	s12 =	sshll.u32 s12, $0x7;
	v13 =	vld [tilespmem:s29+$0xA1B0]  }
0x18c: {  	s21 =	ssub.s32 s14, s4;
	s2 =	sshll.u32 s2, $0x7;
	s14 =	ssub.s32 s14, s15;
	v14 =	vld [tilespmem:s30+$0xA1C0]  }
0x18d: {  	s19 =	sadd.s32 s13, s19;
	s20 =	sadd.s32 s13, s20;
	s22 =	ssub.s32 s16, s12;
	v15 =	vld [tilespmem:s26+$0xA1D0];
	v11 =	vmul.f32 v11, v2  }
0x18e: {  	s21 =	sadd.s32 s13, s21;
	s16 =	ssub.s32 s16, s2;
	s13 =	sadd.s32 s13, s14;
	v16 =	vld [tilespmem:s11+$0xA1E0]  }
0x18f: {  	s14 =	sadd.s32 $0x50, s19;
	s19 =	sadd.s32 $0x60, s20;
	s20 =	sadd.s32 $0xB0, s22;
	v17 =	vld [tilespmem:s8+$0xA180];
	v6 =	vadd.f32 v6, v11  }
0x190: {  	s16 =	sadd.s32 $0xC0, s16;
	s13 =	sadd.s32 $0xA0, s13;
	v11 =	vld [tilespmem:s18+$0x190];
	s18 =	sadd.s32 $0x90, s21  }
0x191: {  	s14 =	sand.u32 $0xFFFFFF80, s14;
	s19 =	sand.u32 $0xFFFFFF80, s19;
	s20 =	sand.u32 $0xFFFFFF80, s20;
	v18 =	vld [tilespmem:s23+$0x1A0];
	v6 =	vmul.f32 $1.442695020e+00, v6  }
0x192: {  	s16 =	sand.u32 $0xFFFFFF80, s16;
	s13 =	sand.u32 $0xFFFFFF80, s13;
	s18 =	sand.u32 $0xFFFFFF80, s18;
	v19 =	vld [tilespmem:s29+$0x1B0]  }
0x193: {  	s1 =	sadd.s32 s1, s6;
	s12 =	sadd.s32 s12, s6;
	s2 =	sadd.s32 s2, s6;
	v20 =	vld [tilespmem:s30+$0x1C0];
	(erf) = vpow2.f32 v6  }
0x194: {  	s4 =	sadd.s32 s4, s6;
	s17 =	sadd.s32 s17, s6;
	s6 =	sadd.s32 s15, s6;
	v6 =	vld [tilespmem:s26+$0x1D0]  }
0x195: {  	s1 =	sadd.s32 s14, s1;
	s12 =	sadd.s32 s20, s12;
	v11 =	vmul.f32 v11, v2;
	v21 =	vld [tilespmem:s11+$0x1E0];
	s11 =	sadd.s32 s19, s17  }
0x196: {  	v22 =	vld [tilespmem:s8+$0x180];
	v18 =	vmul.f32 v18, v2;
	[tilespmem:s1+$0x10] =	vst v4;
	s1 =	sadd.s32 s16, s2;
	s2 =	sadd.s32 s18, s4;
	s4 =	sadd.s32 s13, s6  }
0x197: {  	p0 =	slt.u32 s7, $0x4F80;
	s14 =	smov.u32 s0;
	v4 =	vld.idx.msk [tilespmem:v10+s25+$0x0], $0xffff;
	v10 =	vmul.f32 v19, v2;
	[tilespmem:s11+$0x20] =	vst v5  }
0x198: {  	s10 =	sadd.s32 $0x80, s10;
	s22 =	sand.u32 $0x7E00, s7;
	s0 =	sand.u32 $0xFFFFFE00, s3;
	v5 =	vld.idx.msk [tilespmem:v12+s25+$0x0], $0xffff;
	v12 =	vmul.f32 v20, v2;
	[tilespmem:s12+$0x30] =	vst v7  }
0x199: {  	s13 =	ssub.s32 $0x40, s0;
	s6 =	ssub.s32 s7, s0;
	s16 =	ssub.s32 s14, s0;
	v7 =	vld.idx.msk [tilespmem:v13+s25+$0x0], $0xffff;
	v6 =	vmul.f32 v6, v2;
	[tilespmem:s1+$0x40] =	vst v8  }
0x19a: {  	s19 =	sadd.s32 $0x10, s6;
	s0 =	sadd.s32 $0x20, s6;
	s8 =	sadd.s32 s13, s14;
	v8 =	vld.idx.msk [tilespmem:v14+s25+$0x0], $0xffff;
	v13 =	vmul.f32 v21, v2;
	[tilespmem:s2+$0x50] =	vst v9  }
0x19b: {  	s20 =	sadd.s32 $0x60, s6;
	s1 =	sadd.s32 $0x50, s6;
	s2 =	sadd.s32 $0xB0, s8;
	v9 =	vmul.f32 v22, v2;
	v14 =	vld.idx.msk [tilespmem:v15+s25+$0x0], $0xffff;
	[tilespmem:s4+$0x60] =	vst v3  }
0x19c: {  	s6 =	sshll.u32 s0, $0x10;
	s4 =	sshll.u32 s19, $0x10;
	s11 =	sshll.u32 s2, $0x10;
	v3 =	vld.idx.msk [tilespmem:v16+s25+$0x0], $0xffff;
	v15 =	vpop (erf)  }
0x19d: {  	s15 =	sadd.s32 $0x70, s8;
	s21 =	sadd.s32 $0x80, s8;
	v4 =	vadd.f32 v4, v11;
	s8 =	sshra.s32 s11, $0x1F;
	v16 =	vld.idx.msk [tilespmem:v17+s25+$0x0], $0xffff;
	v11 =	vadd.f32 $1.000000000e+00, v15  }
0x19e: {  	s12 =	sshll.u32 s20, $0x10;
	s11 =	sshll.u32 s1, $0x10;
	v5 =	vadd.f32 v5, v18;
	s8 =	sand.u32 $0x7F, s8  }
0x19f: {  	s6 =	sshra.s32 s6, $0x1F;
	s4 =	sshra.s32 s4, $0x1F;
	v4 =	vmul.f32 $1.442695020e+00, v4;
	v7 =	vadd.f32 v7, v10;
	s8 =	sadd.s32 s8, s2;
	(erf) = vrcp.f32 v11  }
0x1a0: {  	s17 =	sshll.u32 s15, $0x10;
	s18 =	sshll.u32 s21, $0x10;
	v5 =	vmul.f32 $1.442695020e+00, v5;
	v8 =	vadd.f32 v8, v12;
	s8 =	sshll.u32 s8, $0x10  }
0x1a1: {  	s11 =	sshra.s32 s11, $0x1F;
	s2 =	sshra.s32 s2, $0x1F;
	v7 =	vmul.f32 $1.442695020e+00, v7;
	v6 =	vadd.f32 v14, v6;
	s8 =	sshra.s32 s8, $0x17;
	(erf) = vpow2.f32 v4  }
0x1a2: {  	s12 =	sshra.s32 s12, $0x1F;
	s4 =	sand.u32 $0x7F, s4;
	v4 =	vmul.f32 $1.442695020e+00, v8;
	v3 =	vadd.f32 v3, v13;
	s2 =	sadd.s32 s8, s2;
	(erf) = vpow2.f32 v5  }
0x1a3: {  	s17 =	sshra.s32 s17, $0x1F;
	s8 =	sand.u32 $0x7F, s6;
	v5 =	vadd.f32 v16, v9;
	v6 =	vmul.f32 $1.442695020e+00, v6;
	s2 =	sshll.u32 s2, $0x7;
	(erf) = vpow2.f32 v7  }
0x1a4: {  	s18 =	sshra.s32 s18, $0x1F;
	s11 =	sand.u32 $0x7F, s11;
	v3 =	vmul.f32 $1.442695020e+00, v3;
	s6 =	ssub.s32 s14, s2;
	(erf) = vpow2.f32 v4  }
0x1a5: {  	s12 =	sand.u32 $0x7F, s12;
	s17 =	sand.u32 $0x7F, s17;
	v4 =	vmul.f32 $1.442695020e+00, v5;
	s23 =	sadd.s32 s13, s6;
	(erf) = vpow2.f32 v6  }
0x1a6: {  	s4 =	sadd.s32 s4, s19;
	s6 =	sadd.s32 $0x14180, s22;
	s22 =	sadd.s32 $0xB0, s23;
	(erf) = vpow2.f32 v3  }
0x1a7: {  	s8 =	sadd.s32 s8, s0;
	s2 =	sadd.s32 s2, s6;
	s22 =	sand.u32 $0xFFFFFF80, s22;
	(erf) = vpow2.f32 v4  }
0x1a8: {  	s18 =	sand.u32 $0x7F, s18;
	s12 =	sadd.s32 s12, s20;
	s2 =	sadd.s32 s22, s2;
	v3 =	vpop (erf)  }
0x1a9: {  	s12 =	sshll.u32 s12, $0x10;
	s4 =	sshll.u32 s4, $0x10;
	s11 =	sadd.s32 s11, s1;
	[tilespmem:s2+$0x70] =	vst v3  }
0x1aa: {  	s2 =	sshll.u32 s8, $0x10;
	s8 =	sadd.s32 s17, s15;
	s17 =	sadd.s32 s18, s21;
	v3 =	vpop (erf)  }
0x1ab: {  	s4 =	sshra.s32 s4, $0x17;
	s11 =	sshll.u32 s11, $0x10;
	s2 =	sshra.s32 s2, $0x17;
	v6 =	vadd.f32 $1.000000000e+00, v3;
	v4 =	vpop (erf)  }
.Ltmp3:
0x1ac: {  	s18 =	sshll.u32 s8, $0x10;
	s17 =	sshll.u32 s17, $0x10;
	v7 =	vadd.f32 $1.000000000e+00, v4;
	v5 =	vpop (erf);
	(pc) =	sbr.rel @p0 .LBB2_8-.Ltmp3, $4  }
0x1ad: {  	s19 =	sshra.s32 s19, $0x1F;
	s22 =	sshra.s32 s11, $0x17;
	s8 =	sshra.s32 s12, $0x17;
	v8 =	vadd.f32 $1.000000000e+00, v5;
	(erf) = vrcp.f32 v6;
	v3 =	vpop (erf)  }
0x1ae: {  	s0 =	sshra.s32 s0, $0x1F;
	s11 =	sshra.s32 s20, $0x1F;
	s12 =	sshra.s32 s1, $0x1F;
	v6 =	vadd.f32 $1.000000000e+00, v3;
	(erf) = vrcp.f32 v7;
	v3 =	vpop (erf)  }
0x1af: {  	s1 =	sadd.s32 s4, s19;
	s19 =	sadd.s32 s2, s0;
	s20 =	sshra.s32 s18, $0x17;
	v3 =	vadd.f32 $1.000000000e+00, v3;
	(erf) = vrcp.f32 v8;
	v4 =	vpop (erf)  }
0x1b0: {  	s3 =	sadd.s32 $0x80, s3;
	s2 =	sshra.s32 s17, $0x17;
	s4 =	sadd.s32 s22, s12;
	v4 =	vadd.f32 $1.000000000e+00, v4;
	v5 =	vpop (erf);
	(erf) = vrcp.f32 v6  }
0x1b1: {  	s0 =	sadd.s32 s8, s11;
	s3 =	sshra.s32 s15, $0x1F  }
0x1b2: {  	s5 =	sshra.s32 s21, $0x1F;
	s1 =	sshll.u32 s1, $0x7;
	s7 =	sshll.u32 s19, $0x7  }
0x1b3: {  	s4 =	sshll.u32 s4, $0x7;
	s3 =	sadd.s32 s20, s3;
	s2 =	sadd.s32 s2, s5  }
0x1b4: {  	s0 =	sshll.u32 s0, $0x7;
	s11 =	ssub.s32 s14, s1;
	s12 =	ssub.s32 s14, s7  }
0x1b5: {  	s9 =	ssub.s32 s14, s4;
	s1 =	sadd.s32 s1, s6;
	s7 =	sadd.s32 s7, s6  }
0x1b6: {  	v2 =	vadd.f32 $1.000000000e+00, v5;
	(erf) = vrcp.f32 v3;
	s4 =	sadd.s32 s4, s6;
	s3 =	sshll.u32 s3, $0x7;
	s2 =	sshll.u32 s2, $0x7  }
0x1b7: {  	(erf) = vrcp.f32 v4;
	s15 =	ssub.s32 s14, s0;
	s5 =	sadd.s32 s13, s11;
	s8 =	sadd.s32 s13, s12  }
0x1b8: {  	(erf) = vrcp.f32 v2;
	s9 =	sadd.s32 s13, s9;
	s11 =	sadd.s32 s13, s15;
	s12 =	ssub.s32 s16, s3  }
0x1b9: {  	s17 =	ssub.s32 s16, s2;
	s5 =	sadd.s32 $0x50, s5;
	s8 =	sadd.s32 $0x60, s8  }
0x1ba: {  	s9 =	sadd.s32 $0x90, s9;
	s3 =	sadd.s32 s3, s6;
	s5 =	sand.u32 $0xFFFFFF80, s5  }
0x1bb: {  	s12 =	sadd.s32 $0xB0, s12;
	s8 =	sand.u32 $0xFFFFFF80, s8;
	v2 =	vpop (erf);
	s1 =	sadd.s32 s5, s1  }
0x1bc: {  	s13 =	sadd.s32 $0xC0, s17;
	s18 =	sand.u32 $0xFFFFFF80, s12;
	s7 =	sadd.s32 s8, s7;
	v3 =	vpop (erf);
	[tilespmem:s1+$0x10] =	vst v2  }
0x1bd: {  	s2 =	sadd.s32 s2, s6;
	s19 =	sand.u32 $0xFFFFFF80, s13;
	s3 =	sadd.s32 s18, s3;
	v62 =	vpop (erf);
	[tilespmem:s7+$0x20] =	vst v3  }
0x1be: {  	s11 =	sadd.s32 $0xA0, s11;
	s20 =	sand.u32 $0xFFFFFF80, s9;
	s1 =	sadd.s32 s19, s2;
	v63 =	vpop (erf);
	[tilespmem:s3+$0x30] =	vst v62  }
0x1bf: {  	s0 =	sadd.s32 s0, s6;
	s21 =	sand.u32 $0xFFFFFF80, s11;
	s22 =	sadd.s32 s20, s4;
	v6 =	vpop (erf);
	[tilespmem:s1+$0x40] =	vst v63  }
0x1c0: {  	s0 =	sadd.s32 s21, s0;
	v7 =	vpop (erf);
	[tilespmem:s22+$0x50] =	vst v6  }
0x1c1: {  	v8 =	vpop (erf);
	[tilespmem:s0+$0x60] =	vst v7  }
0x1c2: {  	s23 =	simm.s32 $0x200;
	s24 =	simm.s32 $0x4000;
	[tilespmem:s10+$0x0] =	vst v8  }
0x1c3: {  	s26 =	simm.s32 $0x14180;
	s28 =	simm.s32 $0x6;
	s0 =	rddreg [dreg:$0xc]  }
0x1c4: {  	[hbm4b:s0+s23] =	stream.strided.scatter [tilespmem:s26], [sflag:$0x5], $0x5000, s24, s23, $0x38;
	[tilespmem:$0x1E180] =	vst v63  }
0x1c5: {  	_ =	swait.ge [sflag:s28], $0x5000  }
0x1c6: {  	[sflag:s28] =	ssyncset.done $0x0  }
0x1c7: {  	s29 =	simm.s32 $0x5;
	[sflag:s28] =	ssyncadd.s32 $0xFFFFB000  }
0x1c8: {  	_ =	swait.ge [sflag:s29], $0x5000  }
0x1c9: {  	s30 =	rddreg [dreg:$0xe]  }
0x1ca: {  	s31 =	rddreg [dreg:$0xd];
	s2 =	sadd.s32 $0x1, s30  }
0x1cb: {  	p0 =	sne.s32 s2, s31  }
.Ltmp4:
0x1cc: {  	_ = 	snop;
	(pc) =	sbr.rel @p0 .LBB2_1-.Ltmp4, $3  }
0x1cd: {  	_ =	sdelay $0x1  }
0x1ce: {  	[sflag:s29] =	ssyncset.done $0x0  }
0x1cf: {  	[sflag:s29] =	ssyncadd.s32 $0xFFFFB000  }
0x1d0: {  	_ =	sfence.sel $0x180000  }
0x1d1: {  	[bflag:$0x0] =	sbarrier.arrive $0xFFFF  }
0x1d2: {  	_ =	strace $0x90000047  }
0x1d3: {  	s0 =	stileid.u32;
	[bflag:$0x2] =	sbarrier.arrive $0xFFFF  }
0x1d4: {  	p0 =	sne.s32 s0, $0x0;
	s0 =	rddreg [dreg:$0x4]  }
0x1d5: {  	s0 =	sadd.s32 @!p0 $0x100000, s0  }
0x1d6: {  	[sflag:s0] =	ssyncadd.tile.s32 @!p0 $0x1;
	_ =	shalt  }
.Lfunc_end2:
_tile_overlayer_lowered:
.L_overlay_start_2:
0x1d7: {  	(tag) =	ssettag $0x2  }
0x1d8: {  	s0 =	rddreg [dreg:$0x0];
	s2 =	stileid.u32  }
0x1d9: {  	s1 =	rddreg [dreg:$0x1];
	p0 =	sne.s32 s2, $0x0  }
0x1da: {  	s3 =	rddreg [dreg:$0x2];
	[bflag:$0x3] =	sbarrier.arrive $0xFFFF;
	s2 =	simm.s32 @!p0 $0x1C07  }
0x1db: {  	[timem:s3], [sflag:s2] =	dma.local @!p0 [hbm:s0], s1  }
0x1dc: {  	s0 =	simm.s32 @!p0 $0x7  }
0x1dd: {  	_ =	swait.ge @!p0 [sflag:s0], s1  }
0x1de: {  	s1 =	ssub.s32 @!p0 $0x0, s1;
	[sflag:s0] =	ssyncset.done @!p0 $0x0  }
0x1df: {  	[sflag:s0] =	ssyncadd.s32 @!p0 s1  }
0x1e0: {  	[bflag:$0x3] =	sbarrier.arrive $0xFFFF  }
0x1e1: {  	_ =	shalt  }

</sc_bundles>
